<compile_context>
chip_gen: v7x
topology: tpu7x:2x2x1
jax: 0.10.2.dev20260603
libtpu: 0.0.44.dev20260713+nightly
codegen_flags: <defaults>
</compile_context>

<pallas_src>
import functools

import jax
import jax.numpy as jnp
from jax import lax
from jax.experimental import pallas as pl
from jax.experimental.pallas import tpu as pltpu
from jax.experimental.pallas import tpu_sc as plsc

_N = 10000
_E = 320000
_D = 128
_SCALE = 1.8

_NC = 2
_NS = 16
_NW = _NC * _NS
_EPT = _E // _NW
_CH = 80
_NCH = _EPT // _CH

_NPAD = 10240
_DEGW = 16

_ROWS_PT = _NPAD // _NS
_ZCH = 128


def _deg_body(dst2, zeros_hbm, deg_out, dst_v, hist_v, blk_v, hist_sh):
    c = lax.axis_index("c")
    s = lax.axis_index("s")
    wid = c * _NS + s
    pltpu.sync_copy(zeros_hbm, hist_v)
    pltpu.sync_copy(dst2.at[wid], dst_v)
    ones = jnp.full((16,), 1.0, jnp.float32)

    def step(i, carry):
        for u in range(5):
            ix = dst_v[pl.ds((5 * i + u) * 16, 16)]
            plsc.addupdate_scatter(hist_v, [ix], ones)
        return carry

    lax.fori_loop(0, _EPT // 80, step, 0)
    pltpu.sync_copy(hist_v, hist_sh.at[s])
    plsc.subcore_barrier()
    sl = pl.ds(s * _ROWS_PT, _ROWS_PT)
    for k in range(_NS):
        pltpu.sync_copy(hist_sh.at[k, sl], blk_v.at[k])

    def red(i, carry):
        acc = blk_v[0, pl.ds(i * 16, 16)]
        for k in range(1, _NS):
            acc = acc + blk_v[k, pl.ds(i * 16, 16)]
        hist_v[pl.ds(i * 16, 16)] = acc
        return carry

    lax.fori_loop(0, _ROWS_PT // 16, red, 0)
    pltpu.sync_copy(hist_v.at[pl.ds(0, _ROWS_PT)], deg_out.at[c, sl])


def _deg_hist(dst2, zeros_npad):
    mesh = plsc.VectorSubcoreMesh(core_axis_name="c", subcore_axis_name="s", num_cores=_NC, num_subcores=_NS)
    return pl.kernel(
        _deg_body,
        out_type=jax.ShapeDtypeStruct((_NC, _NPAD), jnp.float32),
        mesh=mesh,
        compiler_params=pltpu.CompilerParams(needs_layout_passes=False),
        scratch_types=[
            pltpu.VMEM((_EPT,), jnp.int32),
            pltpu.VMEM((_NPAD,), jnp.float32),
            pltpu.VMEM((_NS, _ROWS_PT), jnp.float32),
            pltpu.VMEM_SHARED((_NS, _NPAD), jnp.float32),
        ],
    )(dst2, zeros_npad)


def _linear_body(x_ref, w_ref, b_ref, deg_ref, g_ref):
    h = lax.dot_general(
        x_ref[...], w_ref[...], (((1,), (1,)), ((), ())),
        preferred_element_type=jnp.float32,
    ) + b_ref[...]
    nrm = jnp.sqrt(jnp.sum(h * h, axis=1, keepdims=True))
    hn = h * (_SCALE / jnp.maximum(nrm, 1e-12))
    d = deg_ref[0, :_N] + deg_ref[1, :_N]
    dinv = lax.rsqrt(jnp.maximum(d + 1.0, 1.0))
    g_ref[...] = hn * dinv


def _linear(x, W1, b1, deg):
    return pl.pallas_call(
        _linear_body,
        out_shape=jax.ShapeDtypeStruct((_N, _D), jnp.float32),
    )(x, W1, b1.reshape(1, _D), deg)


def _prop_body(g_hbm, ed_hbm, zeros_hbm, s_out, ed_v,
               sa_a, da_a, sa_b, da_b, rows_a, rows_b, s_sh, gsa, gsb):
    c = lax.axis_index("c")
    s = lax.axis_index("s")
    wid = c * _NS + s
    for k in range(_ROWS_PT // _ZCH):
        pltpu.sync_copy(
            zeros_hbm, s_sh.at[pl.ds(s * _ROWS_PT + k * _ZCH, _ZCH)])
    pltpu.sync_copy(ed_hbm.at[wid], ed_v)
    plsc.subcore_barrier()

    def unpack(j, sa, da):
        for k in range(_CH // 16):
            v = ed_v[j, pl.ds(k * 16, 16)]
            sa[pl.ds(k * 16, 16)] = lax.shift_right_logical(v, 16)
            da[pl.ds(k * 16, 16)] = lax.bitwise_and(v, 0xFFFF)

    def gather(rows, sa, sem):
        pltpu.async_copy(g_hbm.at[sa], rows, sem)

    def wait_gather(rows, sa, sem):
        pltpu.make_async_copy(g_hbm.at[sa], rows, sem).wait()

    def scatter(rows, da):
        pltpu.sync_copy(rows, s_sh.at[da], add=True)

    unpack(0, sa_a, da_a)
    gather(rows_a, sa_a, gsa)

    def pair(i, carry):
        j = 2 * i
        unpack(j + 1, sa_b, da_b)
        gather(rows_b, sa_b, gsb)
        wait_gather(rows_a, sa_a, gsa)
        scatter(rows_a, da_a)
        unpack(j + 2, sa_a, da_a)
        gather(rows_a, sa_a, gsa)
        wait_gather(rows_b, sa_b, gsb)
        scatter(rows_b, da_b)
        return carry

    lax.fori_loop(0, (_NCH - 1) // 2, pair, 0)
    wait_gather(rows_a, sa_a, gsa)
    scatter(rows_a, da_a)
    plsc.subcore_barrier()
    sl = pl.ds(s * _ROWS_PT, _ROWS_PT)
    pltpu.sync_copy(s_sh.at[sl], s_out.at[c, sl])


def _propagate(g, ed, zrows):
    mesh = plsc.VectorSubcoreMesh(core_axis_name="c", subcore_axis_name="s", num_cores=_NC, num_subcores=_NS)
    return pl.kernel(
        _prop_body,
        out_type=jax.ShapeDtypeStruct((_NC, _NPAD, _D), jnp.float32),
        mesh=mesh,
        compiler_params=pltpu.CompilerParams(needs_layout_passes=False),
        scratch_types=[
            pltpu.VMEM((_NCH, _CH), jnp.int32),
            pltpu.VMEM((_CH,), jnp.int32),
            pltpu.VMEM((_CH,), jnp.int32),
            pltpu.VMEM((_CH,), jnp.int32),
            pltpu.VMEM((_CH,), jnp.int32),
            pltpu.VMEM((_CH, _D), jnp.float32),
            pltpu.VMEM((_CH, _D), jnp.float32),
            pltpu.VMEM_SHARED((_NPAD, _D), jnp.float32),
            pltpu.SemaphoreType.DMA,
            pltpu.SemaphoreType.DMA,
        ],
    )(g, ed, zrows)


def _combine_body(g_ref, s_ref, deg_ref, o_ref):
    d = deg_ref[0, :_N] + deg_ref[1, :_N]
    dinv = lax.rsqrt(jnp.maximum(d + 1.0, 1.0))
    o_ref[...] = dinv * (g_ref[...] + s_ref[0, :_N] + s_ref[1, :_N])


def _combine(g, s_part, deg):
    return pl.pallas_call(
        _combine_body,
        out_shape=jax.ShapeDtypeStruct((_N, _D), jnp.float32),
    )(g, s_part, deg)


def kernel(x, edge_index, W1, b1):
    packed = jnp.bitwise_or(jnp.left_shift(edge_index[0], 16),
                            edge_index[1])
    ed = packed.reshape(_NW, _NCH, _CH)
    dst2 = edge_index[1].reshape(_NW, _EPT)
    zeros_npad = jnp.zeros((_NPAD,), jnp.float32)
    zrows = jnp.zeros((_ZCH, _D), jnp.float32)

    deg = _deg_hist(dst2, zeros_npad).reshape(_NC, _NPAD, 1)
    g = _linear(x, W1, b1, deg)
    s_part = _propagate(g, ed, zrows)
    return _combine(g, s_part, deg)

# --- scband reference (transcript-rebuilt; emitter-appended) ---
"""Pipeline reference for scband-encoder-26061861552804 (READ-ONLY COPY).

The authoritative reference and input builder live on the scoring server;
editing this copy changes nothing except your own understanding.
"""

import jax, jax.numpy as jnp
import numpy as np

N = 10000
E = 320000
D_IN = 128
D_OUT = 128
SCALING_FACTOR = 1.8


def setup_inputs(seed: int = 0) -> dict:
    key = jax.random.key(seed)
    k1, k2, k3, k4 = jax.random.split(key, 4)
    x = jax.random.normal(k1, (N, D_IN), dtype=jnp.float32)
    edge_index = jax.random.randint(k2, (2, E), 0, N, dtype=jnp.int32)
    # Linear layer params (torch nn.Linear: y = x @ W.T + b)
    bound = 1.0 / np.sqrt(D_IN)
    W1 = jax.random.uniform(k3, (D_OUT, D_IN), dtype=jnp.float32, minval=-bound, maxval=bound)
    b1 = jax.random.uniform(k4, (D_OUT,), dtype=jnp.float32, minval=-bound, maxval=bound)
    return {"x": x, "edge_index": edge_index, "W1": W1, "b1": b1}


def reference(x, edge_index, W1, b1):
    # GNAE branch: linear -> L2 normalize * scaling -> APPNP(K=1, alpha=0)
    h = x @ W1.T + b1
    # F.normalize(p=2, dim=1) with eps=1e-12
    nrm = jnp.sqrt(jnp.sum(h * h, axis=1, keepdims=True))
    h = h / jnp.clip(nrm, 1e-12) * SCALING_FACTOR
    # APPNP with K=1, alpha=0 reduces to one GCN-normalized propagation with self-loops
    src = edge_index[0]
    dst = edge_index[1]
    loop = jnp.arange(N, dtype=src.dtype)
    src = jnp.concatenate([src, loop])
    dst = jnp.concatenate([dst, loop])
    ones = jnp.ones(src.shape[0], dtype=h.dtype)
    deg = jax.ops.segment_sum(ones, dst, num_segments=N)
    dinv = jax.lax.rsqrt(jnp.clip(deg, 1.0))
    coef = dinv[src] * dinv[dst]
    msgs = h[src] * coef[:, None]
    out = jax.ops.segment_sum(msgs, dst, num_segments=N)
    return out

if __name__ == "__main__":
    import jax
    _d = setup_inputs()
    print(jax.jit(kernel)(*tuple(_d.values())))

</pallas_src>

<mosaic_0001>
#map = affine_map<(d0, d1) -> (0, 0)>
#map1 = affine_map<(d0, d1) -> (0, 0, 0)>
module attributes {stable_mosaic.version = 14 : i64} {
  func.func @_prop_body(%arg0: i32, %arg1: i32, %arg2: memref<10000x128xf32, #tpu.memory_space<hbm>>, %arg3: memref<32x125x80xi32, #tpu.memory_space<hbm>>, %arg4: memref<128x128xf32, #tpu.memory_space<hbm>>, %arg5: memref<2x10240x128xf32, #tpu.memory_space<hbm>>, %arg6: memref<125x80xi32, #tpu.memory_space<vmem>>, %arg7: memref<80xi32, #tpu.memory_space<vmem>>, %arg8: memref<80xi32, #tpu.memory_space<vmem>>, %arg9: memref<80xi32, #tpu.memory_space<vmem>>, %arg10: memref<80xi32, #tpu.memory_space<vmem>>, %arg11: memref<80x128xf32, #tpu.memory_space<vmem>>, %arg12: memref<80x128xf32, #tpu.memory_space<vmem>>, %arg13: memref<10240x128xf32, #tpu.memory_space<vmem_shared>>, %arg14: memref<!tpu.dma_semaphore, #tpu.memory_space<semaphore_mem>>, %arg15: memref<!tpu.dma_semaphore, #tpu.memory_space<semaphore_mem>>) attributes {dimension_semantics = [#tpu.dimension_semantics<core_parallel>, #tpu.dimension_semantics<subcore_parallel>], iteration_bounds = array<i64: 2, 16>, scalar_prefetch = 0 : i64, scratch_operands = 10 : i64, tpu.core_type = #tpu.core_type<sc_vector_subcore>, window_params = [{transform_indices = #map}, {transform_indices = #map1}, {transform_indices = #map}, {transform_indices = #map1}]} {
    %mul3A = arith.constant 16 : i32
    %mul3A_0 = arith.muli %arg0, %mul3A : i32
    %add3A = arith.addi %mul3A_0, %arg1 : i32
    %mul3A_1 = arith.constant 640 : i32
    %mul3A_2 = arith.muli %arg1, %mul3A_1 : i32
    %add3A_3 = arith.constant 0 : i32
    %add3A_4 = arith.addi %mul3A_2, %add3A_3 : i32
    "tpu.region"() ({
      %run_scoped3A = tpu.sem_alloc : memref<!tpu.dma_semaphore, #tpu.memory_space<semaphore_mem>>
      %dma_start3A_99 = arith.constant 0 : i32
      %dma_start3A_100 = tpu.memref_slice %arg13[%add3A_4, %dma_start3A_99] : memref<10240x128xf32, #tpu.memory_space<vmem_shared>> -> memref<128x128xf32, #tpu.memory_space<vmem_shared>>
      tpu.enqueue_dma source(%arg4 : memref<128x128xf32, #tpu.memory_space<hbm>>) target(%dma_start3A_100 : memref<128x128xf32, #tpu.memory_space<vmem_shared>>) target_semaphore(%run_scoped3A : memref<!tpu.dma_semaphore, #tpu.memory_space<semaphore_mem>>)
      %dma_wait3A_101 = arith.constant 0 : i32
      %dma_wait3A_102 = tpu.memref_slice %arg13[%add3A_4, %dma_wait3A_101] : memref<10240x128xf32, #tpu.memory_space<vmem_shared>> -> memref<128x128xf32, #tpu.memory_space<vmem_shared>>
      tpu.wait_dma2 semaphore(%run_scoped3A : memref<!tpu.dma_semaphore, #tpu.memory_space<semaphore_mem>>) src(%arg4 : memref<128x128xf32, #tpu.memory_space<hbm>>) dst(%dma_wait3A_102 : memref<128x128xf32, #tpu.memory_space<vmem_shared>>)
      tpu.yield
    }) : () -> ()
    %mul3A_5 = arith.constant 640 : i32
    %mul3A_6 = arith.muli %arg1, %mul3A_5 : i32
    %add3A_7 = arith.constant 128 : i32
    %add3A_8 = arith.addi %mul3A_6, %add3A_7 : i32
    "tpu.region"() ({
      %run_scoped3A = tpu.sem_alloc : memref<!tpu.dma_semaphore, #tpu.memory_space<semaphore_mem>>
      %dma_start3A_99 = arith.constant 0 : i32
      %dma_start3A_100 = tpu.memref_slice %arg13[%add3A_8, %dma_start3A_99] : memref<10240x128xf32, #tpu.memory_space<vmem_shared>> -> memref<128x128xf32, #tpu.memory_space<vmem_shared>>
      tpu.enqueue_dma source(%arg4 : memref<128x128xf32, #tpu.memory_space<hbm>>) target(%dma_start3A_100 : memref<128x128xf32, #tpu.memory_space<vmem_shared>>) target_semaphore(%run_scoped3A : memref<!tpu.dma_semaphore, #tpu.memory_space<semaphore_mem>>)
      %dma_wait3A_101 = arith.constant 0 : i32
      %dma_wait3A_102 = tpu.memref_slice %arg13[%add3A_8, %dma_wait3A_101] : memref<10240x128xf32, #tpu.memory_space<vmem_shared>> -> memref<128x128xf32, #tpu.memory_space<vmem_shared>>
      tpu.wait_dma2 semaphore(%run_scoped3A : memref<!tpu.dma_semaphore, #tpu.memory_space<semaphore_mem>>) src(%arg4 : memref<128x128xf32, #tpu.memory_space<hbm>>) dst(%dma_wait3A_102 : memref<128x128xf32, #tpu.memory_space<vmem_shared>>)
      tpu.yield
    }) : () -> ()
    %mul3A_9 = arith.constant 640 : i32
    %mul3A_10 = arith.muli %arg1, %mul3A_9 : i32
    %add3A_11 = arith.constant 256 : i32
    %add3A_12 = arith.addi %mul3A_10, %add3A_11 : i32
    "tpu.region"() ({
      %run_scoped3A = tpu.sem_alloc : memref<!tpu.dma_semaphore, #tpu.memory_space<semaphore_mem>>
      %dma_start3A_99 = arith.constant 0 : i32
      %dma_start3A_100 = tpu.memref_slice %arg13[%add3A_12, %dma_start3A_99] : memref<10240x128xf32, #tpu.memory_space<vmem_shared>> -> memref<128x128xf32, #tpu.memory_space<vmem_shared>>
      tpu.enqueue_dma source(%arg4 : memref<128x128xf32, #tpu.memory_space<hbm>>) target(%dma_start3A_100 : memref<128x128xf32, #tpu.memory_space<vmem_shared>>) target_semaphore(%run_scoped3A : memref<!tpu.dma_semaphore, #tpu.memory_space<semaphore_mem>>)
      %dma_wait3A_101 = arith.constant 0 : i32
      %dma_wait3A_102 = tpu.memref_slice %arg13[%add3A_12, %dma_wait3A_101] : memref<10240x128xf32, #tpu.memory_space<vmem_shared>> -> memref<128x128xf32, #tpu.memory_space<vmem_shared>>
      tpu.wait_dma2 semaphore(%run_scoped3A : memref<!tpu.dma_semaphore, #tpu.memory_space<semaphore_mem>>) src(%arg4 : memref<128x128xf32, #tpu.memory_space<hbm>>) dst(%dma_wait3A_102 : memref<128x128xf32, #tpu.memory_space<vmem_shared>>)
      tpu.yield
    }) : () -> ()
    %mul3A_13 = arith.constant 640 : i32
    %mul3A_14 = arith.muli %arg1, %mul3A_13 : i32
    %add3A_15 = arith.constant 384 : i32
    %add3A_16 = arith.addi %mul3A_14, %add3A_15 : i32
    "tpu.region"() ({
      %run_scoped3A = tpu.sem_alloc : memref<!tpu.dma_semaphore, #tpu.memory_space<semaphore_mem>>
      %dma_start3A_99 = arith.constant 0 : i32
      %dma_start3A_100 = tpu.memref_slice %arg13[%add3A_16, %dma_start3A_99] : memref<10240x128xf32, #tpu.memory_space<vmem_shared>> -> memref<128x128xf32, #tpu.memory_space<vmem_shared>>
      tpu.enqueue_dma source(%arg4 : memref<128x128xf32, #tpu.memory_space<hbm>>) target(%dma_start3A_100 : memref<128x128xf32, #tpu.memory_space<vmem_shared>>) target_semaphore(%run_scoped3A : memref<!tpu.dma_semaphore, #tpu.memory_space<semaphore_mem>>)
      %dma_wait3A_101 = arith.constant 0 : i32
      %dma_wait3A_102 = tpu.memref_slice %arg13[%add3A_16, %dma_wait3A_101] : memref<10240x128xf32, #tpu.memory_space<vmem_shared>> -> memref<128x128xf32, #tpu.memory_space<vmem_shared>>
      tpu.wait_dma2 semaphore(%run_scoped3A : memref<!tpu.dma_semaphore, #tpu.memory_space<semaphore_mem>>) src(%arg4 : memref<128x128xf32, #tpu.memory_space<hbm>>) dst(%dma_wait3A_102 : memref<128x128xf32, #tpu.memory_space<vmem_shared>>)
      tpu.yield
    }) : () -> ()
    %mul3A_17 = arith.constant 640 : i32
    %mul3A_18 = arith.muli %arg1, %mul3A_17 : i32
    %add3A_19 = arith.constant 512 : i32
    %add3A_20 = arith.addi %mul3A_18, %add3A_19 : i32
    "tpu.region"() ({
      %run_scoped3A = tpu.sem_alloc : memref<!tpu.dma_semaphore, #tpu.memory_space<semaphore_mem>>
      %dma_start3A_99 = arith.constant 0 : i32
      %dma_start3A_100 = tpu.memref_slice %arg13[%add3A_20, %dma_start3A_99] : memref<10240x128xf32, #tpu.memory_space<vmem_shared>> -> memref<128x128xf32, #tpu.memory_space<vmem_shared>>
      tpu.enqueue_dma source(%arg4 : memref<128x128xf32, #tpu.memory_space<hbm>>) target(%dma_start3A_100 : memref<128x128xf32, #tpu.memory_space<vmem_shared>>) target_semaphore(%run_scoped3A : memref<!tpu.dma_semaphore, #tpu.memory_space<semaphore_mem>>)
      %dma_wait3A_101 = arith.constant 0 : i32
      %dma_wait3A_102 = tpu.memref_slice %arg13[%add3A_20, %dma_wait3A_101] : memref<10240x128xf32, #tpu.memory_space<vmem_shared>> -> memref<128x128xf32, #tpu.memory_space<vmem_shared>>
      tpu.wait_dma2 semaphore(%run_scoped3A : memref<!tpu.dma_semaphore, #tpu.memory_space<semaphore_mem>>) src(%arg4 : memref<128x128xf32, #tpu.memory_space<hbm>>) dst(%dma_wait3A_102 : memref<128x128xf32, #tpu.memory_space<vmem_shared>>)
      tpu.yield
    }) : () -> ()
    "tpu.region"() ({
      %run_scoped3A = tpu.sem_alloc : memref<!tpu.dma_semaphore, #tpu.memory_space<semaphore_mem>>
      %dma_start3A_99 = arith.constant 0 : i32
      %dma_start3A_100 = arith.constant 0 : i32
      %dma_start3A_101 = tpu.memref_slice %arg3[%add3A, %dma_start3A_99, %dma_start3A_100] : memref<32x125x80xi32, #tpu.memory_space<hbm>> -> memref<1x125x80xi32, #tpu.memory_space<hbm>>
      %dma_start3A_102 = tpu.memref_squeeze %dma_start3A_101 : memref<1x125x80xi32, #tpu.memory_space<hbm>> -> memref<125x80xi32, #tpu.memory_space<hbm>>
      %dma_start3A_103 = arith.constant 0 : i32
      %dma_start3A_104 = arith.constant 0 : i32
      %dma_start3A_105 = tpu.memref_slice %arg3[%add3A, %dma_start3A_103, %dma_start3A_104] : memref<32x125x80xi32, #tpu.memory_space<hbm>> -> memref<1x125x80xi32, #tpu.memory_space<hbm>>
      %dma_start3A_106 = tpu.memref_squeeze %dma_start3A_105 : memref<1x125x80xi32, #tpu.memory_space<hbm>> -> memref<125x80xi32, #tpu.memory_space<hbm>>
      tpu.enqueue_dma source(%dma_start3A_106 : memref<125x80xi32, #tpu.memory_space<hbm>>) target(%arg6 : memref<125x80xi32, #tpu.memory_space<vmem>>) target_semaphore(%run_scoped3A : memref<!tpu.dma_semaphore, #tpu.memory_space<semaphore_mem>>)
      %dma_wait3A_107 = arith.constant 0 : i32
      %dma_wait3A_108 = arith.constant 0 : i32
      %dma_wait3A_109 = tpu.memref_slice %arg3[%add3A, %dma_wait3A_107, %dma_wait3A_108] : memref<32x125x80xi32, #tpu.memory_space<hbm>> -> memref<1x125x80xi32, #tpu.memory_space<hbm>>
      %dma_wait3A_110 = tpu.memref_squeeze %dma_wait3A_109 : memref<1x125x80xi32, #tpu.memory_space<hbm>> -> memref<125x80xi32, #tpu.memory_space<hbm>>
      %dma_wait3A_111 = arith.constant 0 : i32
      %dma_wait3A_112 = arith.constant 0 : i32
      %dma_wait3A_113 = tpu.memref_slice %arg3[%add3A, %dma_wait3A_111, %dma_wait3A_112] : memref<32x125x80xi32, #tpu.memory_space<hbm>> -> memref<1x125x80xi32, #tpu.memory_space<hbm>>
      %dma_wait3A_114 = tpu.memref_squeeze %dma_wait3A_113 : memref<1x125x80xi32, #tpu.memory_space<hbm>> -> memref<125x80xi32, #tpu.memory_space<hbm>>
      tpu.wait_dma2 semaphore(%run_scoped3A : memref<!tpu.dma_semaphore, #tpu.memory_space<semaphore_mem>>) src(%dma_wait3A_114 : memref<125x80xi32, #tpu.memory_space<hbm>>) dst(%arg6 : memref<125x80xi32, #tpu.memory_space<vmem>>)
      tpu.yield
    }) : () -> ()
    %barrier3A = arith.constant 0 : index
    tpu.barrier barrier_id(%barrier3A)
    %get3A = arith.constant 0 : i32
    %get3A_21 = arith.index_cast %get3A : i32 to index
    %get3A_22 = arith.constant 0 : index
    %get3A_23 = tpu.vector_load %arg6[%get3A_21, %get3A_22] {strides = array<i32>} : memref<125x80xi32, #tpu.memory_space<vmem>>, vector<16xi32>,
    %shift_right_logical3A = arith.constant 16 : i32
    %shift_right_logical3A_24 = vector.broadcast %shift_right_logical3A : i32 to vector<16xi32>
    %shift_right_logical3A_25 = arith.shrui %get3A_23, %shift_right_logical3A_24 : vector<16xi32>
    %swap3A = arith.constant 0 : index
    %swap3A_26 = tpu.vector_load %arg7[%swap3A] {strides = array<i32>} : memref<80xi32, #tpu.memory_space<vmem>>, vector<16xi32>,
    tpu.vector_store %arg7[%swap3A], %shift_right_logical3A_25 {strides = array<i32>} : memref<80xi32, #tpu.memory_space<vmem>>, vector<16xi32>,
    %and3A = arith.constant 65535 : i32
    %and3A_27 = vector.broadcast %and3A : i32 to vector<16xi32>
    %and3A_28 = arith.andi %get3A_23, %and3A_27 : vector<16xi32>
    %swap3A_29 = arith.constant 0 : index
    %swap3A_30 = tpu.vector_load %arg8[%swap3A_29] {strides = array<i32>} : memref<80xi32, #tpu.memory_space<vmem>>, vector<16xi32>,
    tpu.vector_store %arg8[%swap3A_29], %and3A_28 {strides = array<i32>} : memref<80xi32, #tpu.memory_space<vmem>>, vector<16xi32>,
    %get3A_31 = arith.constant 0 : i32
    %get3A_32 = arith.index_cast %get3A_31 : i32 to index
    %get3A_33 = arith.constant 16 : index
    %get3A_34 = tpu.vector_load %arg6[%get3A_32, %get3A_33] {strides = array<i32>} : memref<125x80xi32, #tpu.memory_space<vmem>>, vector<16xi32>,
    %shift_right_logical3A_35 = arith.constant 16 : i32
    %shift_right_logical3A_36 = vector.broadcast %shift_right_logical3A_35 : i32 to vector<16xi32>
    %shift_right_logical3A_37 = arith.shrui %get3A_34, %shift_right_logical3A_36 : vector<16xi32>
    %swap3A_38 = arith.constant 16 : index
    %swap3A_39 = tpu.vector_load %arg7[%swap3A_38] {strides = array<i32>} : memref<80xi32, #tpu.memory_space<vmem>>, vector<16xi32>,
    tpu.vector_store %arg7[%swap3A_38], %shift_right_logical3A_37 {strides = array<i32>} : memref<80xi32, #tpu.memory_space<vmem>>, vector<16xi32>,
    %and3A_40 = arith.constant 65535 : i32
    %and3A_41 = vector.broadcast %and3A_40 : i32 to vector<16xi32>
    %and3A_42 = arith.andi %get3A_34, %and3A_41 : vector<16xi32>
    %swap3A_43 = arith.constant 16 : index
    %swap3A_44 = tpu.vector_load %arg8[%swap3A_43] {strides = array<i32>} : memref<80xi32, #tpu.memory_space<vmem>>, vector<16xi32>,
    tpu.vector_store %arg8[%swap3A_43], %and3A_42 {strides = array<i32>} : memref<80xi32, #tpu.memory_space<vmem>>, vector<16xi32>,
    %get3A_45 = arith.constant 0 : i32
    %get3A_46 = arith.index_cast %get3A_45 : i32 to index
    %get3A_47 = arith.constant 32 : index
    %get3A_48 = tpu.vector_load %arg6[%get3A_46, %get3A_47] {strides = array<i32>} : memref<125x80xi32, #tpu.memory_space<vmem>>, vector<16xi32>,
    %shift_right_logical3A_49 = arith.constant 16 : i32
    %shift_right_logical3A_50 = vector.broadcast %shift_right_logical3A_49 : i32 to vector<16xi32>
    %shift_right_logical3A_51 = arith.shrui %get3A_48, %shift_right_logical3A_50 : vector<16xi32>
    %swap3A_52 = arith.constant 32 : index
    %swap3A_53 = tpu.vector_load %arg7[%swap3A_52] {strides = array<i32>} : memref<80xi32, #tpu.memory_space<vmem>>, vector<16xi32>,
    tpu.vector_store %arg7[%swap3A_52], %shift_right_logical3A_51 {strides = array<i32>} : memref<80xi32, #tpu.memory_space<vmem>>, vector<16xi32>,
    %and3A_54 = arith.constant 65535 : i32
    %and3A_55 = vector.broadcast %and3A_54 : i32 to vector<16xi32>
    %and3A_56 = arith.andi %get3A_48, %and3A_55 : vector<16xi32>
    %swap3A_57 = arith.constant 32 : index
    %swap3A_58 = tpu.vector_load %arg8[%swap3A_57] {strides = array<i32>} : memref<80xi32, #tpu.memory_space<vmem>>, vector<16xi32>,
    tpu.vector_store %arg8[%swap3A_57], %and3A_56 {strides = array<i32>} : memref<80xi32, #tpu.memory_space<vmem>>, vector<16xi32>,
    %get3A_59 = arith.constant 0 : i32
    %get3A_60 = arith.index_cast %get3A_59 : i32 to index
    %get3A_61 = arith.constant 48 : index
    %get3A_62 = tpu.vector_load %arg6[%get3A_60, %get3A_61] {strides = array<i32>} : memref<125x80xi32, #tpu.memory_space<vmem>>, vector<16xi32>,
    %shift_right_logical3A_63 = arith.constant 16 : i32
    %shift_right_logical3A_64 = vector.broadcast %shift_right_logical3A_63 : i32 to vector<16xi32>
    %shift_right_logical3A_65 = arith.shrui %get3A_62, %shift_right_logical3A_64 : vector<16xi32>
    %swap3A_66 = arith.constant 48 : index
    %swap3A_67 = tpu.vector_load %arg7[%swap3A_66] {strides = array<i32>} : memref<80xi32, #tpu.memory_space<vmem>>, vector<16xi32>,
    tpu.vector_store %arg7[%swap3A_66], %shift_right_logical3A_65 {strides = array<i32>} : memref<80xi32, #tpu.memory_space<vmem>>, vector<16xi32>,
    %and3A_68 = arith.constant 65535 : i32
    %and3A_69 = vector.broadcast %and3A_68 : i32 to vector<16xi32>
    %and3A_70 = arith.andi %get3A_62, %and3A_69 : vector<16xi32>
    %swap3A_71 = arith.constant 48 : index
    %swap3A_72 = tpu.vector_load %arg8[%swap3A_71] {strides = array<i32>} : memref<80xi32, #tpu.memory_space<vmem>>, vector<16xi32>,
    tpu.vector_store %arg8[%swap3A_71], %and3A_70 {strides = array<i32>} : memref<80xi32, #tpu.memory_space<vmem>>, vector<16xi32>,
    %get3A_73 = arith.constant 0 : i32
    %get3A_74 = arith.index_cast %get3A_73 : i32 to index
    %get3A_75 = arith.constant 64 : index
    %get3A_76 = tpu.vector_load %arg6[%get3A_74, %get3A_75] {strides = array<i32>} : memref<125x80xi32, #tpu.memory_space<vmem>>, vector<16xi32>,
    %shift_right_logical3A_77 = arith.constant 16 : i32
    %shift_right_logical3A_78 = vector.broadcast %shift_right_logical3A_77 : i32 to vector<16xi32>
    %shift_right_logical3A_79 = arith.shrui %get3A_76, %shift_right_logical3A_78 : vector<16xi32>
    %swap3A_80 = arith.constant 64 : index
    %swap3A_81 = tpu.vector_load %arg7[%swap3A_80] {strides = array<i32>} : memref<80xi32, #tpu.memory_space<vmem>>, vector<16xi32>,
    tpu.vector_store %arg7[%swap3A_80], %shift_right_logical3A_79 {strides = array<i32>} : memref<80xi32, #tpu.memory_space<vmem>>, vector<16xi32>,
    %and3A_82 = arith.constant 65535 : i32
    %and3A_83 = vector.broadcast %and3A_82 : i32 to vector<16xi32>
    %and3A_84 = arith.andi %get3A_76, %and3A_83 : vector<16xi32>
    %swap3A_85 = arith.constant 64 : index
    %swap3A_86 = tpu.vector_load %arg8[%swap3A_85] {strides = array<i32>} : memref<80xi32, #tpu.memory_space<vmem>>, vector<16xi32>,
    tpu.vector_store %arg8[%swap3A_85], %and3A_84 {strides = array<i32>} : memref<80xi32, #tpu.memory_space<vmem>>, vector<16xi32>,
    %dma_start3A = arith.constant 0 : i32
    %dma_start3A_87 = arith.constant 0 : i32
    %dma_start3A_88 = tpu.memref_slice %arg2[%dma_start3A, %dma_start3A_87] : memref<10000x128xf32, #tpu.memory_space<hbm>> -> memref<10000x128xf32, #tpu.memory_space<hbm>>
    tpu.enqueue_indirect_dma source(%dma_start3A_88 : memref<10000x128xf32, #tpu.memory_space<hbm>>) target(%arg11 : memref<80x128xf32, #tpu.memory_space<vmem>>) offsets(%arg7 : memref<80xi32, #tpu.memory_space<vmem>>) semaphore(%arg14 : memref<!tpu.dma_semaphore, #tpu.memory_space<semaphore_mem>>)
    %scan3A = arith.constant 0 : i32
    %scan3A_89 = arith.constant 0 : i32
    %scan3A_90 = arith.constant 62 : i32
    %scan3A_91 = arith.addi %scan3A_89, %scan3A_90 : i32
    %scan3A_92 = arith.constant 1 : i32
    scf.for %scan3A_99 = %scan3A_89 to %scan3A_91 step %scan3A_92  : i32 {
      %mul3A_100 = arith.constant 2 : i32
      %mul3A_101 = arith.muli %mul3A_100, %scan3A_99 : i32
      %add3A_102 = arith.constant 1 : i32
      %add3A_103 = arith.addi %mul3A_101, %add3A_102 : i32
      %get3A_104 = arith.index_cast %add3A_103 : i32 to index
      %get3A_105 = arith.constant 0 : index
      %get3A_106 = tpu.vector_load %arg6[%get3A_104, %get3A_105] {strides = array<i32>} : memref<125x80xi32, #tpu.memory_space<vmem>>, vector<16xi32>,
      %shift_right_logical3A_107 = arith.constant 16 : i32
      %shift_right_logical3A_108 = vector.broadcast %shift_right_logical3A_107 : i32 to vector<16xi32>
      %shift_right_logical3A_109 = arith.shrui %get3A_106, %shift_right_logical3A_108 : vector<16xi32>
      %swap3A_110 = arith.constant 0 : index
      %swap3A_111 = tpu.vector_load %arg9[%swap3A_110] {strides = array<i32>} : memref<80xi32, #tpu.memory_space<vmem>>, vector<16xi32>,
      tpu.vector_store %arg9[%swap3A_110], %shift_right_logical3A_109 {strides = array<i32>} : memref<80xi32, #tpu.memory_space<vmem>>, vector<16xi32>,
      %and3A_112 = arith.constant 65535 : i32
      %and3A_113 = vector.broadcast %and3A_112 : i32 to vector<16xi32>
      %and3A_114 = arith.andi %get3A_106, %and3A_113 : vector<16xi32>
      %swap3A_115 = arith.constant 0 : index
      %swap3A_116 = tpu.vector_load %arg10[%swap3A_115] {strides = array<i32>} : memref<80xi32, #tpu.memory_space<vmem>>, vector<16xi32>,
      tpu.vector_store %arg10[%swap3A_115], %and3A_114 {strides = array<i32>} : memref<80xi32, #tpu.memory_space<vmem>>, vector<16xi32>,
      %get3A_117 = arith.index_cast %add3A_103 : i32 to index
      %get3A_118 = arith.constant 16 : index
      %get3A_119 = tpu.vector_load %arg6[%get3A_117, %get3A_118] {strides = array<i32>} : memref<125x80xi32, #tpu.memory_space<vmem>>, vector<16xi32>,
      %shift_right_logical3A_120 = arith.constant 16 : i32
      %shift_right_logical3A_121 = vector.broadcast %shift_right_logical3A_120 : i32 to vector<16xi32>
      %shift_right_logical3A_122 = arith.shrui %get3A_119, %shift_right_logical3A_121 : vector<16xi32>
      %swap3A_123 = arith.constant 16 : index
      %swap3A_124 = tpu.vector_load %arg9[%swap3A_123] {strides = array<i32>} : memref<80xi32, #tpu.memory_space<vmem>>, vector<16xi32>,
      tpu.vector_store %arg9[%swap3A_123], %shift_right_logical3A_122 {strides = array<i32>} : memref<80xi32, #tpu.memory_space<vmem>>, vector<16xi32>,
      %and3A_125 = arith.constant 65535 : i32
      %and3A_126 = vector.broadcast %and3A_125 : i32 to vector<16xi32>
      %and3A_127 = arith.andi %get3A_119, %and3A_126 : vector<16xi32>
      %swap3A_128 = arith.constant 16 : index
      %swap3A_129 = tpu.vector_load %arg10[%swap3A_128] {strides = array<i32>} : memref<80xi32, #tpu.memory_space<vmem>>, vector<16xi32>,
      tpu.vector_store %arg10[%swap3A_128], %and3A_127 {strides = array<i32>} : memref<80xi32, #tpu.memory_space<vmem>>, vector<16xi32>,
      %get3A_130 = arith.index_cast %add3A_103 : i32 to index
      %get3A_131 = arith.constant 32 : index
      %get3A_132 = tpu.vector_load %arg6[%get3A_130, %get3A_131] {strides = array<i32>} : memref<125x80xi32, #tpu.memory_space<vmem>>, vector<16xi32>,
      %shift_right_logical3A_133 = arith.constant 16 : i32
      %shift_right_logical3A_134 = vector.broadcast %shift_right_logical3A_133 : i32 to vector<16xi32>
      %shift_right_logical3A_135 = arith.shrui %get3A_132, %shift_right_logical3A_134 : vector<16xi32>
      %swap3A_136 = arith.constant 32 : index
      %swap3A_137 = tpu.vector_load %arg9[%swap3A_136] {strides = array<i32>} : memref<80xi32, #tpu.memory_space<vmem>>, vector<16xi32>,
      tpu.vector_store %arg9[%swap3A_136], %shift_right_logical3A_135 {strides = array<i32>} : memref<80xi32, #tpu.memory_space<vmem>>, vector<16xi32>,
      %and3A_138 = arith.constant 65535 : i32
      %and3A_139 = vector.broadcast %and3A_138 : i32 to vector<16xi32>
      %and3A_140 = arith.andi %get3A_132, %and3A_139 : vector<16xi32>
      %swap3A_141 = arith.constant 32 : index
      %swap3A_142 = tpu.vector_load %arg10[%swap3A_141] {strides = array<i32>} : memref<80xi32, #tpu.memory_space<vmem>>, vector<16xi32>,
      tpu.vector_store %arg10[%swap3A_141], %and3A_140 {strides = array<i32>} : memref<80xi32, #tpu.memory_space<vmem>>, vector<16xi32>,
      %get3A_143 = arith.index_cast %add3A_103 : i32 to index
      %get3A_144 = arith.constant 48 : index
      %get3A_145 = tpu.vector_load %arg6[%get3A_143, %get3A_144] {strides = array<i32>} : memref<125x80xi32, #tpu.memory_space<vmem>>, vector<16xi32>,
      %shift_right_logical3A_146 = arith.constant 16 : i32
      %shift_right_logical3A_147 = vector.broadcast %shift_right_logical3A_146 : i32 to vector<16xi32>
      %shift_right_logical3A_148 = arith.shrui %get3A_145, %shift_right_logical3A_147 : vector<16xi32>
      %swap3A_149 = arith.constant 48 : index
      %swap3A_150 = tpu.vector_load %arg9[%swap3A_149] {strides = array<i32>} : memref<80xi32, #tpu.memory_space<vmem>>, vector<16xi32>,
      tpu.vector_store %arg9[%swap3A_149], %shift_right_logical3A_148 {strides = array<i32>} : memref<80xi32, #tpu.memory_space<vmem>>, vector<16xi32>,
      %and3A_151 = arith.constant 65535 : i32
      %and3A_152 = vector.broadcast %and3A_151 : i32 to vector<16xi32>
      %and3A_153 = arith.andi %get3A_145, %and3A_152 : vector<16xi32>
      %swap3A_154 = arith.constant 48 : index
      %swap3A_155 = tpu.vector_load %arg10[%swap3A_154] {strides = array<i32>} : memref<80xi32, #tpu.memory_space<vmem>>, vector<16xi32>,
      tpu.vector_store %arg10[%swap3A_154], %and3A_153 {strides = array<i32>} : memref<80xi32, #tpu.memory_space<vmem>>, vector<16xi32>,
      %get3A_156 = arith.index_cast %add3A_103 : i32 to index
      %get3A_157 = arith.constant 64 : index
      %get3A_158 = tpu.vector_load %arg6[%get3A_156, %get3A_157] {strides = array<i32>} : memref<125x80xi32, #tpu.memory_space<vmem>>, vector<16xi32>,
      %shift_right_logical3A_159 = arith.constant 16 : i32
      %shift_right_logical3A_160 = vector.broadcast %shift_right_logical3A_159 : i32 to vector<16xi32>
      %shift_right_logical3A_161 = arith.shrui %get3A_158, %shift_right_logical3A_160 : vector<16xi32>
      %swap3A_162 = arith.constant 64 : index
      %swap3A_163 = tpu.vector_load %arg9[%swap3A_162] {strides = array<i32>} : memref<80xi32, #tpu.memory_space<vmem>>, vector<16xi32>,
      tpu.vector_store %arg9[%swap3A_162], %shift_right_logical3A_161 {strides = array<i32>} : memref<80xi32, #tpu.memory_space<vmem>>, vector<16xi32>,
      %and3A_164 = arith.constant 65535 : i32
      %and3A_165 = vector.broadcast %and3A_164 : i32 to vector<16xi32>
      %and3A_166 = arith.andi %get3A_158, %and3A_165 : vector<16xi32>
      %swap3A_167 = arith.constant 64 : index
      %swap3A_168 = tpu.vector_load %arg10[%swap3A_167] {strides = array<i32>} : memref<80xi32, #tpu.memory_space<vmem>>, vector<16xi32>,
      tpu.vector_store %arg10[%swap3A_167], %and3A_166 {strides = array<i32>} : memref<80xi32, #tpu.memory_space<vmem>>, vector<16xi32>,
      %dma_start3A_169 = arith.constant 0 : i32
      %dma_start3A_170 = arith.constant 0 : i32
      %dma_start3A_171 = tpu.memref_slice %arg2[%dma_start3A_169, %dma_start3A_170] : memref<10000x128xf32, #tpu.memory_space<hbm>> -> memref<10000x128xf32, #tpu.memory_space<hbm>>
      tpu.enqueue_indirect_dma source(%dma_start3A_171 : memref<10000x128xf32, #tpu.memory_space<hbm>>) target(%arg12 : memref<80x128xf32, #tpu.memory_space<vmem>>) offsets(%arg9 : memref<80xi32, #tpu.memory_space<vmem>>) semaphore(%arg15 : memref<!tpu.dma_semaphore, #tpu.memory_space<semaphore_mem>>)
      %dma_wait3A_172 = arith.constant 0 : i32
      %dma_wait3A_173 = arith.constant 0 : i32
      %dma_wait3A_174 = tpu.memref_slice %arg2[%dma_wait3A_172, %dma_wait3A_173] : memref<10000x128xf32, #tpu.memory_space<hbm>> -> memref<10000x128xf32, #tpu.memory_space<hbm>>
      tpu.wait_indirect_dma semaphore(%arg14 : memref<!tpu.dma_semaphore, #tpu.memory_space<semaphore_mem>>) src(%dma_wait3A_174 : memref<10000x128xf32, #tpu.memory_space<hbm>>) dst(%arg11 : memref<80x128xf32, #tpu.memory_space<vmem>>)
      "tpu.region"() ({
        %run_scoped3A = tpu.sem_alloc : memref<!tpu.dma_semaphore, #tpu.memory_space<semaphore_mem>>
        %dma_start3A_248 = arith.constant 0 : i32
        %dma_start3A_249 = arith.constant 0 : i32
        %dma_start3A_250 = tpu.memref_slice %arg13[%dma_start3A_248, %dma_start3A_249] : memref<10240x128xf32, #tpu.memory_space<vmem_shared>> -> memref<10240x128xf32, #tpu.memory_space<vmem_shared>>
        tpu.enqueue_indirect_dma source(%arg11 : memref<80x128xf32, #tpu.memory_space<vmem>>) target(%dma_start3A_250 : memref<10240x128xf32, #tpu.memory_space<vmem_shared>>) offsets(%arg8 : memref<80xi32, #tpu.memory_space<vmem>>) semaphore(%run_scoped3A : memref<!tpu.dma_semaphore, #tpu.memory_space<semaphore_mem>>) {add = true}
        %dma_wait3A_251 = arith.constant 0 : i32
        %dma_wait3A_252 = arith.constant 0 : i32
        %dma_wait3A_253 = tpu.memref_slice %arg13[%dma_wait3A_251, %dma_wait3A_252] : memref<10240x128xf32, #tpu.memory_space<vmem_shared>> -> memref<10240x128xf32, #tpu.memory_space<vmem_shared>>
        tpu.wait_indirect_dma semaphore(%run_scoped3A : memref<!tpu.dma_semaphore, #tpu.memory_space<semaphore_mem>>) src(%arg11 : memref<80x128xf32, #tpu.memory_space<vmem>>) dst(%dma_wait3A_253 : memref<10240x128xf32, #tpu.memory_space<vmem_shared>>)
        tpu.yield
      }) : () -> ()
      %add3A_175 = arith.constant 2 : i32
      %add3A_176 = arith.addi %mul3A_101, %add3A_175 : i32
      %get3A_177 = arith.index_cast %add3A_176 : i32 to index
      %get3A_178 = arith.constant 0 : index
      %get3A_179 = tpu.vector_load %arg6[%get3A_177, %get3A_178] {strides = array<i32>} : memref<125x80xi32, #tpu.memory_space<vmem>>, vector<16xi32>,
      %shift_right_logical3A_180 = arith.constant 16 : i32
      %shift_right_logical3A_181 = vector.broadcast %shift_right_logical3A_180 : i32 to vector<16xi32>
      %shift_right_logical3A_182 = arith.shrui %get3A_179, %shift_right_logical3A_181 : vector<16xi32>
      %swap3A_183 = arith.constant 0 : index
      %swap3A_184 = tpu.vector_load %arg7[%swap3A_183] {strides = array<i32>} : memref<80xi32, #tpu.memory_space<vmem>>, vector<16xi32>,
      tpu.vector_store %arg7[%swap3A_183], %shift_right_logical3A_182 {strides = array<i32>} : memref<80xi32, #tpu.memory_space<vmem>>, vector<16xi32>,
      %and3A_185 = arith.constant 65535 : i32
      %and3A_186 = vector.broadcast %and3A_185 : i32 to vector<16xi32>
      %and3A_187 = arith.andi %get3A_179, %and3A_186 : vector<16xi32>
      %swap3A_188 = arith.constant 0 : index
      %swap3A_189 = tpu.vector_load %arg8[%swap3A_188] {strides = array<i32>} : memref<80xi32, #tpu.memory_space<vmem>>, vector<16xi32>,
      tpu.vector_store %arg8[%swap3A_188], %and3A_187 {strides = array<i32>} : memref<80xi32, #tpu.memory_space<vmem>>, vector<16xi32>,
      %get3A_190 = arith.index_cast %add3A_176 : i32 to index
      %get3A_191 = arith.constant 16 : index
      %get3A_192 = tpu.vector_load %arg6[%get3A_190, %get3A_191] {strides = array<i32>} : memref<125x80xi32, #tpu.memory_space<vmem>>, vector<16xi32>,
      %shift_right_logical3A_193 = arith.constant 16 : i32
      %shift_right_logical3A_194 = vector.broadcast %shift_right_logical3A_193 : i32 to vector<16xi32>
      %shift_right_logical3A_195 = arith.shrui %get3A_192, %shift_right_logical3A_194 : vector<16xi32>
      %swap3A_196 = arith.constant 16 : index
      %swap3A_197 = tpu.vector_load %arg7[%swap3A_196] {strides = array<i32>} : memref<80xi32, #tpu.memory_space<vmem>>, vector<16xi32>,
      tpu.vector_store %arg7[%swap3A_196], %shift_right_logical3A_195 {strides = array<i32>} : memref<80xi32, #tpu.memory_space<vmem>>, vector<16xi32>,
      %and3A_198 = arith.constant 65535 : i32
      %and3A_199 = vector.broadcast %and3A_198 : i32 to vector<16xi32>
      %and3A_200 = arith.andi %get3A_192, %and3A_199 : vector<16xi32>
      %swap3A_201 = arith.constant 16 : index
      %swap3A_202 = tpu.vector_load %arg8[%swap3A_201] {strides = array<i32>} : memref<80xi32, #tpu.memory_space<vmem>>, vector<16xi32>,
      tpu.vector_store %arg8[%swap3A_201], %and3A_200 {strides = array<i32>} : memref<80xi32, #tpu.memory_space<vmem>>, vector<16xi32>,
      %get3A_203 = arith.index_cast %add3A_176 : i32 to index
      %get3A_204 = arith.constant 32 : index
      %get3A_205 = tpu.vector_load %arg6[%get3A_203, %get3A_204] {strides = array<i32>} : memref<125x80xi32, #tpu.memory_space<vmem>>, vector<16xi32>,
      %shift_right_logical3A_206 = arith.constant 16 : i32
      %shift_right_logical3A_207 = vector.broadcast %shift_right_logical3A_206 : i32 to vector<16xi32>
      %shift_right_logical3A_208 = arith.shrui %get3A_205, %shift_right_logical3A_207 : vector<16xi32>
      %swap3A_209 = arith.constant 32 : index
      %swap3A_210 = tpu.vector_load %arg7[%swap3A_209] {strides = array<i32>} : memref<80xi32, #tpu.memory_space<vmem>>, vector<16xi32>,
      tpu.vector_store %arg7[%swap3A_209], %shift_right_logical3A_208 {strides = array<i32>} : memref<80xi32, #tpu.memory_space<vmem>>, vector<16xi32>,
      %and3A_211 = arith.constant 65535 : i32
      %and3A_212 = vector.broadcast %and3A_211 : i32 to vector<16xi32>
      %and3A_213 = arith.andi %get3A_205, %and3A_212 : vector<16xi32>
      %swap3A_214 = arith.constant 32 : index
      %swap3A_215 = tpu.vector_load %arg8[%swap3A_214] {strides = array<i32>} : memref<80xi32, #tpu.memory_space<vmem>>, vector<16xi32>,
      tpu.vector_store %arg8[%swap3A_214], %and3A_213 {strides = array<i32>} : memref<80xi32, #tpu.memory_space<vmem>>, vector<16xi32>,
      %get3A_216 = arith.index_cast %add3A_176 : i32 to index
      %get3A_217 = arith.constant 48 : index
      %get3A_218 = tpu.vector_load %arg6[%get3A_216, %get3A_217] {strides = array<i32>} : memref<125x80xi32, #tpu.memory_space<vmem>>, vector<16xi32>,
      %shift_right_logical3A_219 = arith.constant 16 : i32
      %shift_right_logical3A_220 = vector.broadcast %shift_right_logical3A_219 : i32 to vector<16xi32>
      %shift_right_logical3A_221 = arith.shrui %get3A_218, %shift_right_logical3A_220 : vector<16xi32>
      %swap3A_222 = arith.constant 48 : index
      %swap3A_223 = tpu.vector_load %arg7[%swap3A_222] {strides = array<i32>} : memref<80xi32, #tpu.memory_space<vmem>>, vector<16xi32>,
      tpu.vector_store %arg7[%swap3A_222], %shift_right_logical3A_221 {strides = array<i32>} : memref<80xi32, #tpu.memory_space<vmem>>, vector<16xi32>,
      %and3A_224 = arith.constant 65535 : i32
      %and3A_225 = vector.broadcast %and3A_224 : i32 to vector<16xi32>
      %and3A_226 = arith.andi %get3A_218, %and3A_225 : vector<16xi32>
      %swap3A_227 = arith.constant 48 : index
      %swap3A_228 = tpu.vector_load %arg8[%swap3A_227] {strides = array<i32>} : memref<80xi32, #tpu.memory_space<vmem>>, vector<16xi32>,
      tpu.vector_store %arg8[%swap3A_227], %and3A_226 {strides = array<i32>} : memref<80xi32, #tpu.memory_space<vmem>>, vector<16xi32>,
      %get3A_229 = arith.index_cast %add3A_176 : i32 to index
      %get3A_230 = arith.constant 64 : index
      %get3A_231 = tpu.vector_load %arg6[%get3A_229, %get3A_230] {strides = array<i32>} : memref<125x80xi32, #tpu.memory_space<vmem>>, vector<16xi32>,
      %shift_right_logical3A_232 = arith.constant 16 : i32
      %shift_right_logical3A_233 = vector.broadcast %shift_right_logical3A_232 : i32 to vector<16xi32>
      %shift_right_logical3A_234 = arith.shrui %get3A_231, %shift_right_logical3A_233 : vector<16xi32>
      %swap3A_235 = arith.constant 64 : index
      %swap3A_236 = tpu.vector_load %arg7[%swap3A_235] {strides = array<i32>} : memref<80xi32, #tpu.memory_space<vmem>>, vector<16xi32>,
      tpu.vector_store %arg7[%swap3A_235], %shift_right_logical3A_234 {strides = array<i32>} : memref<80xi32, #tpu.memory_space<vmem>>, vector<16xi32>,
      %and3A_237 = arith.constant 65535 : i32
      %and3A_238 = vector.broadcast %and3A_237 : i32 to vector<16xi32>
      %and3A_239 = arith.andi %get3A_231, %and3A_238 : vector<16xi32>
      %swap3A_240 = arith.constant 64 : index
      %swap3A_241 = tpu.vector_load %arg8[%swap3A_240] {strides = array<i32>} : memref<80xi32, #tpu.memory_space<vmem>>, vector<16xi32>,
      tpu.vector_store %arg8[%swap3A_240], %and3A_239 {strides = array<i32>} : memref<80xi32, #tpu.memory_space<vmem>>, vector<16xi32>,
      %dma_start3A_242 = arith.constant 0 : i32
      %dma_start3A_243 = arith.constant 0 : i32
      %dma_start3A_244 = tpu.memref_slice %arg2[%dma_start3A_242, %dma_start3A_243] : memref<10000x128xf32, #tpu.memory_space<hbm>> -> memref<10000x128xf32, #tpu.memory_space<hbm>>
      tpu.enqueue_indirect_dma source(%dma_start3A_244 : memref<10000x128xf32, #tpu.memory_space<hbm>>) target(%arg11 : memref<80x128xf32, #tpu.memory_space<vmem>>) offsets(%arg7 : memref<80xi32, #tpu.memory_space<vmem>>) semaphore(%arg14 : memref<!tpu.dma_semaphore, #tpu.memory_space<semaphore_mem>>)
      %dma_wait3A_245 = arith.constant 0 : i32
      %dma_wait3A_246 = arith.constant 0 : i32
      %dma_wait3A_247 = tpu.memref_slice %arg2[%dma_wait3A_245, %dma_wait3A_246] : memref<10000x128xf32, #tpu.memory_space<hbm>> -> memref<10000x128xf32, #tpu.memory_space<hbm>>
      tpu.wait_indirect_dma semaphore(%arg15 : memref<!tpu.dma_semaphore, #tpu.memory_space<semaphore_mem>>) src(%dma_wait3A_247 : memref<10000x128xf32, #tpu.memory_space<hbm>>) dst(%arg12 : memref<80x128xf32, #tpu.memory_space<vmem>>)
      "tpu.region"() ({
        %run_scoped3A = tpu.sem_alloc : memref<!tpu.dma_semaphore, #tpu.memory_space<semaphore_mem>>
        %dma_start3A_248 = arith.constant 0 : i32
        %dma_start3A_249 = arith.constant 0 : i32
        %dma_start3A_250 = tpu.memref_slice %arg13[%dma_start3A_248, %dma_start3A_249] : memref<10240x128xf32, #tpu.memory_space<vmem_shared>> -> memref<10240x128xf32, #tpu.memory_space<vmem_shared>>
        tpu.enqueue_indirect_dma source(%arg12 : memref<80x128xf32, #tpu.memory_space<vmem>>) target(%dma_start3A_250 : memref<10240x128xf32, #tpu.memory_space<vmem_shared>>) offsets(%arg10 : memref<80xi32, #tpu.memory_space<vmem>>) semaphore(%run_scoped3A : memref<!tpu.dma_semaphore, #tpu.memory_space<semaphore_mem>>) {add = true}
        %dma_wait3A_251 = arith.constant 0 : i32
        %dma_wait3A_252 = arith.constant 0 : i32
        %dma_wait3A_253 = tpu.memref_slice %arg13[%dma_wait3A_251, %dma_wait3A_252] : memref<10240x128xf32, #tpu.memory_space<vmem_shared>> -> memref<10240x128xf32, #tpu.memory_space<vmem_shared>>
        tpu.wait_indirect_dma semaphore(%run_scoped3A : memref<!tpu.dma_semaphore, #tpu.memory_space<semaphore_mem>>) src(%arg12 : memref<80x128xf32, #tpu.memory_space<vmem>>) dst(%dma_wait3A_253 : memref<10240x128xf32, #tpu.memory_space<vmem_shared>>)
        tpu.yield
      }) : () -> ()
    }
    %scan3A_93 = arith.constant 62 : i32
    %dma_wait3A = arith.constant 0 : i32
    %dma_wait3A_94 = arith.constant 0 : i32
    %dma_wait3A_95 = tpu.memref_slice %arg2[%dma_wait3A, %dma_wait3A_94] : memref<10000x128xf32, #tpu.memory_space<hbm>> -> memref<10000x128xf32, #tpu.memory_space<hbm>>
    tpu.wait_indirect_dma semaphore(%arg14 : memref<!tpu.dma_semaphore, #tpu.memory_space<semaphore_mem>>) src(%dma_wait3A_95 : memref<10000x128xf32, #tpu.memory_space<hbm>>) dst(%arg11 : memref<80x128xf32, #tpu.memory_space<vmem>>)
    "tpu.region"() ({
      %run_scoped3A = tpu.sem_alloc : memref<!tpu.dma_semaphore, #tpu.memory_space<semaphore_mem>>
      %dma_start3A_99 = arith.constant 0 : i32
      %dma_start3A_100 = arith.constant 0 : i32
      %dma_start3A_101 = tpu.memref_slice %arg13[%dma_start3A_99, %dma_start3A_100] : memref<10240x128xf32, #tpu.memory_space<vmem_shared>> -> memref<10240x128xf32, #tpu.memory_space<vmem_shared>>
      tpu.enqueue_indirect_dma source(%arg11 : memref<80x128xf32, #tpu.memory_space<vmem>>) target(%dma_start3A_101 : memref<10240x128xf32, #tpu.memory_space<vmem_shared>>) offsets(%arg8 : memref<80xi32, #tpu.memory_space<vmem>>) semaphore(%run_scoped3A : memref<!tpu.dma_semaphore, #tpu.memory_space<semaphore_mem>>) {add = true}
      %dma_wait3A_102 = arith.constant 0 : i32
      %dma_wait3A_103 = arith.constant 0 : i32
      %dma_wait3A_104 = tpu.memref_slice %arg13[%dma_wait3A_102, %dma_wait3A_103] : memref<10240x128xf32, #tpu.memory_space<vmem_shared>> -> memref<10240x128xf32, #tpu.memory_space<vmem_shared>>
      tpu.wait_indirect_dma semaphore(%run_scoped3A : memref<!tpu.dma_semaphore, #tpu.memory_space<semaphore_mem>>) src(%arg11 : memref<80x128xf32, #tpu.memory_space<vmem>>) dst(%dma_wait3A_104 : memref<10240x128xf32, #tpu.memory_space<vmem_shared>>)
      tpu.yield
    }) : () -> ()
    %barrier3A_96 = arith.constant 0 : index
    tpu.barrier barrier_id(%barrier3A_96)
    %mul3A_97 = arith.constant 640 : i32
    %mul3A_98 = arith.muli %arg1, %mul3A_97 : i32
    "tpu.region"() ({
      %run_scoped3A = tpu.sem_alloc : memref<!tpu.dma_semaphore, #tpu.memory_space<semaphore_mem>>
      %dma_start3A_99 = arith.constant 0 : i32
      %dma_start3A_100 = tpu.memref_slice %arg5[%arg0, %mul3A_98, %dma_start3A_99] : memref<2x10240x128xf32, #tpu.memory_space<hbm>> -> memref<1x640x128xf32, #tpu.memory_space<hbm>>
      %dma_start3A_101 = tpu.memref_squeeze %dma_start3A_100 : memref<1x640x128xf32, #tpu.memory_space<hbm>> -> memref<640x128xf32, #tpu.memory_space<hbm>>
      %dma_start3A_102 = arith.constant 0 : i32
      %dma_start3A_103 = tpu.memref_slice %arg13[%mul3A_98, %dma_start3A_102] : memref<10240x128xf32, #tpu.memory_space<vmem_shared>> -> memref<640x128xf32, #tpu.memory_space<vmem_shared>>
      tpu.enqueue_dma source(%dma_start3A_103 : memref<640x128xf32, #tpu.memory_space<vmem_shared>>) target(%dma_start3A_101 : memref<640x128xf32, #tpu.memory_space<hbm>>) target_semaphore(%run_scoped3A : memref<!tpu.dma_semaphore, #tpu.memory_space<semaphore_mem>>)
      %dma_wait3A_104 = arith.constant 0 : i32
      %dma_wait3A_105 = tpu.memref_slice %arg5[%arg0, %mul3A_98, %dma_wait3A_104] : memref<2x10240x128xf32, #tpu.memory_space<hbm>> -> memref<1x640x128xf32, #tpu.memory_space<hbm>>
      %dma_wait3A_106 = tpu.memref_squeeze %dma_wait3A_105 : memref<1x640x128xf32, #tpu.memory_space<hbm>> -> memref<640x128xf32, #tpu.memory_space<hbm>>
      %dma_wait3A_107 = arith.constant 0 : i32
      %dma_wait3A_108 = tpu.memref_slice %arg13[%mul3A_98, %dma_wait3A_107] : memref<10240x128xf32, #tpu.memory_space<vmem_shared>> -> memref<640x128xf32, #tpu.memory_space<vmem_shared>>
      tpu.wait_dma2 semaphore(%run_scoped3A : memref<!tpu.dma_semaphore, #tpu.memory_space<semaphore_mem>>) src(%dma_wait3A_108 : memref<640x128xf32, #tpu.memory_space<vmem_shared>>) dst(%dma_wait3A_106 : memref<640x128xf32, #tpu.memory_space<hbm>>)
      tpu.yield
    }) : () -> ()
    return
  }
}

#map = affine_map<(d0, d1) -> (0, 0)>
#map1 = affine_map<(d0, d1) -> (0)>
module attributes {stable_mosaic.version = 14 : i64} {
  func.func @_deg_body(%arg0: i32, %arg1: i32, %arg2: memref<32x10000xi32, #tpu.memory_space<hbm>>, %arg3: memref<10240xf32, #tpu.memory_space<hbm>>, %arg4: memref<2x10240xf32, #tpu.memory_space<hbm>>, %arg5: memref<10000xi32, #tpu.memory_space<vmem>>, %arg6: memref<10240xf32, #tpu.memory_space<vmem>>, %arg7: memref<16x640xf32, #tpu.memory_space<vmem>>, %arg8: memref<16x10240xf32, #tpu.memory_space<vmem_shared>>) attributes {dimension_semantics = [#tpu.dimension_semantics<core_parallel>, #tpu.dimension_semantics<subcore_parallel>], iteration_bounds = array<i64: 2, 16>, scalar_prefetch = 0 : i64, scratch_operands = 4 : i64, tpu.core_type = #tpu.core_type<sc_vector_subcore>, window_params = [{transform_indices = #map}, {transform_indices = #map1}, {transform_indices = #map}]} {
    %mul3A = arith.constant 16 : i32
    %mul3A_0 = arith.muli %arg0, %mul3A : i32
    %add3A = arith.addi %mul3A_0, %arg1 : i32
    "tpu.region"() ({
      %run_scoped3A_46 = tpu.sem_alloc : memref<!tpu.dma_semaphore, #tpu.memory_space<semaphore_mem>>
      tpu.enqueue_dma source(%arg3 : memref<10240xf32, #tpu.memory_space<hbm>>) target(%arg6 : memref<10240xf32, #tpu.memory_space<vmem>>) target_semaphore(%run_scoped3A_46 : memref<!tpu.dma_semaphore, #tpu.memory_space<semaphore_mem>>)
      tpu.wait_dma2 semaphore(%run_scoped3A_46 : memref<!tpu.dma_semaphore, #tpu.memory_space<semaphore_mem>>) src(%arg3 : memref<10240xf32, #tpu.memory_space<hbm>>) dst(%arg6 : memref<10240xf32, #tpu.memory_space<vmem>>)
      tpu.yield
    }) : () -> ()
    "tpu.region"() ({
      %run_scoped3A_46 = tpu.sem_alloc : memref<!tpu.dma_semaphore, #tpu.memory_space<semaphore_mem>>
      %dma_start3A = arith.constant 0 : i32
      %dma_start3A_47 = tpu.memref_slice %arg2[%add3A, %dma_start3A] : memref<32x10000xi32, #tpu.memory_space<hbm>> -> memref<1x10000xi32, #tpu.memory_space<hbm>>
      %dma_start3A_48 = tpu.memref_squeeze %dma_start3A_47 : memref<1x10000xi32, #tpu.memory_space<hbm>> -> memref<10000xi32, #tpu.memory_space<hbm>>
      %dma_start3A_49 = arith.constant 0 : i32
      %dma_start3A_50 = tpu.memref_slice %arg2[%add3A, %dma_start3A_49] : memref<32x10000xi32, #tpu.memory_space<hbm>> -> memref<1x10000xi32, #tpu.memory_space<hbm>>
      %dma_start3A_51 = tpu.memref_squeeze %dma_start3A_50 : memref<1x10000xi32, #tpu.memory_space<hbm>> -> memref<10000xi32, #tpu.memory_space<hbm>>
      tpu.enqueue_dma source(%dma_start3A_51 : memref<10000xi32, #tpu.memory_space<hbm>>) target(%arg5 : memref<10000xi32, #tpu.memory_space<vmem>>) target_semaphore(%run_scoped3A_46 : memref<!tpu.dma_semaphore, #tpu.memory_space<semaphore_mem>>)
      %dma_wait3A = arith.constant 0 : i32
      %dma_wait3A_52 = tpu.memref_slice %arg2[%add3A, %dma_wait3A] : memref<32x10000xi32, #tpu.memory_space<hbm>> -> memref<1x10000xi32, #tpu.memory_space<hbm>>
      %dma_wait3A_53 = tpu.memref_squeeze %dma_wait3A_52 : memref<1x10000xi32, #tpu.memory_space<hbm>> -> memref<10000xi32, #tpu.memory_space<hbm>>
      %dma_wait3A_54 = arith.constant 0 : i32
      %dma_wait3A_55 = tpu.memref_slice %arg2[%add3A, %dma_wait3A_54] : memref<32x10000xi32, #tpu.memory_space<hbm>> -> memref<1x10000xi32, #tpu.memory_space<hbm>>
      %dma_wait3A_56 = tpu.memref_squeeze %dma_wait3A_55 : memref<1x10000xi32, #tpu.memory_space<hbm>> -> memref<10000xi32, #tpu.memory_space<hbm>>
      tpu.wait_dma2 semaphore(%run_scoped3A_46 : memref<!tpu.dma_semaphore, #tpu.memory_space<semaphore_mem>>) src(%dma_wait3A_56 : memref<10000xi32, #tpu.memory_space<hbm>>) dst(%arg5 : memref<10000xi32, #tpu.memory_space<vmem>>)
      tpu.yield
    }) : () -> ()
    %broadcast_in_dim3A = arith.constant 1.000000e+00 : f32
    %broadcast_in_dim3A_1 = vector.broadcast %broadcast_in_dim3A : f32 to vector<16xf32>
    %scan3A = arith.constant 0 : i32
    %scan3A_2 = arith.constant 0 : i32
    %scan3A_3 = arith.constant 125 : i32
    %scan3A_4 = arith.addi %scan3A_2, %scan3A_3 : i32
    %scan3A_5 = arith.constant 1 : i32
    scf.for %scan3A_46 = %scan3A_2 to %scan3A_4 step %scan3A_5  : i32 {
      %mul3A_47 = arith.constant 5 : i32
      %mul3A_48 = arith.muli %mul3A_47, %scan3A_46 : i32
      %add3A_49 = arith.constant 0 : i32
      %add3A_50 = arith.addi %mul3A_48, %add3A_49 : i32
      %mul3A_51 = arith.constant 16 : i32
      %mul3A_52 = arith.muli %add3A_50, %mul3A_51 : i32
      %get3A = arith.index_cast %mul3A_52 : i32 to index
      %get3A_53 = tpu.vector_load %arg5[%get3A] {strides = array<i32>} : memref<10000xi32, #tpu.memory_space<vmem>>, vector<16xi32>,
      tpu.vector_store_idx %arg6[%get3A_53], %broadcast_in_dim3A_1 {add = true} : memref<10240xf32, #tpu.memory_space<vmem>>[vector<16xi32>], vector<16xf32>,
      %mul3A_54 = arith.constant 5 : i32
      %mul3A_55 = arith.muli %mul3A_54, %scan3A_46 : i32
      %add3A_56 = arith.constant 1 : i32
      %add3A_57 = arith.addi %mul3A_55, %add3A_56 : i32
      %mul3A_58 = arith.constant 16 : i32
      %mul3A_59 = arith.muli %add3A_57, %mul3A_58 : i32
      %get3A_60 = arith.index_cast %mul3A_59 : i32 to index
      %get3A_61 = tpu.vector_load %arg5[%get3A_60] {strides = array<i32>} : memref<10000xi32, #tpu.memory_space<vmem>>, vector<16xi32>,
      tpu.vector_store_idx %arg6[%get3A_61], %broadcast_in_dim3A_1 {add = true} : memref<10240xf32, #tpu.memory_space<vmem>>[vector<16xi32>], vector<16xf32>,
      %mul3A_62 = arith.constant 5 : i32
      %mul3A_63 = arith.muli %mul3A_62, %scan3A_46 : i32
      %add3A_64 = arith.constant 2 : i32
      %add3A_65 = arith.addi %mul3A_63, %add3A_64 : i32
      %mul3A_66 = arith.constant 16 : i32
      %mul3A_67 = arith.muli %add3A_65, %mul3A_66 : i32
      %get3A_68 = arith.index_cast %mul3A_67 : i32 to index
      %get3A_69 = tpu.vector_load %arg5[%get3A_68] {strides = array<i32>} : memref<10000xi32, #tpu.memory_space<vmem>>, vector<16xi32>,
      tpu.vector_store_idx %arg6[%get3A_69], %broadcast_in_dim3A_1 {add = true} : memref<10240xf32, #tpu.memory_space<vmem>>[vector<16xi32>], vector<16xf32>,
      %mul3A_70 = arith.constant 5 : i32
      %mul3A_71 = arith.muli %mul3A_70, %scan3A_46 : i32
      %add3A_72 = arith.constant 3 : i32
      %add3A_73 = arith.addi %mul3A_71, %add3A_72 : i32
      %mul3A_74 = arith.constant 16 : i32
      %mul3A_75 = arith.muli %add3A_73, %mul3A_74 : i32
      %get3A_76 = arith.index_cast %mul3A_75 : i32 to index
      %get3A_77 = tpu.vector_load %arg5[%get3A_76] {strides = array<i32>} : memref<10000xi32, #tpu.memory_space<vmem>>, vector<16xi32>,
      tpu.vector_store_idx %arg6[%get3A_77], %broadcast_in_dim3A_1 {add = true} : memref<10240xf32, #tpu.memory_space<vmem>>[vector<16xi32>], vector<16xf32>,
      %mul3A_78 = arith.constant 5 : i32
      %mul3A_79 = arith.muli %mul3A_78, %scan3A_46 : i32
      %add3A_80 = arith.constant 4 : i32
      %add3A_81 = arith.addi %mul3A_79, %add3A_80 : i32
      %mul3A_82 = arith.constant 16 : i32
      %mul3A_83 = arith.muli %add3A_81, %mul3A_82 : i32
      %get3A_84 = arith.index_cast %mul3A_83 : i32 to index
      %get3A_85 = tpu.vector_load %arg5[%get3A_84] {strides = array<i32>} : memref<10000xi32, #tpu.memory_space<vmem>>, vector<16xi32>,
      tpu.vector_store_idx %arg6[%get3A_85], %broadcast_in_dim3A_1 {add = true} : memref<10240xf32, #tpu.memory_space<vmem>>[vector<16xi32>], vector<16xf32>,
    }
    %scan3A_6 = arith.constant 125 : i32
    "tpu.region"() ({
      %run_scoped3A_46 = tpu.sem_alloc : memref<!tpu.dma_semaphore, #tpu.memory_space<semaphore_mem>>
      %dma_start3A = arith.constant 0 : i32
      %dma_start3A_47 = tpu.memref_slice %arg8[%arg1, %dma_start3A] : memref<16x10240xf32, #tpu.memory_space<vmem_shared>> -> memref<1x10240xf32, #tpu.memory_space<vmem_shared>>
      %dma_start3A_48 = tpu.memref_squeeze %dma_start3A_47 : memref<1x10240xf32, #tpu.memory_space<vmem_shared>> -> memref<10240xf32, #tpu.memory_space<vmem_shared>>
      %dma_start3A_49 = arith.constant 0 : i32
      %dma_start3A_50 = tpu.memref_slice %arg8[%arg1, %dma_start3A_49] : memref<16x10240xf32, #tpu.memory_space<vmem_shared>> -> memref<1x10240xf32, #tpu.memory_space<vmem_shared>>
      %dma_start3A_51 = tpu.memref_squeeze %dma_start3A_50 : memref<1x10240xf32, #tpu.memory_space<vmem_shared>> -> memref<10240xf32, #tpu.memory_space<vmem_shared>>
      tpu.enqueue_dma source(%arg6 : memref<10240xf32, #tpu.memory_space<vmem>>) target(%dma_start3A_51 : memref<10240xf32, #tpu.memory_space<vmem_shared>>) target_semaphore(%run_scoped3A_46 : memref<!tpu.dma_semaphore, #tpu.memory_space<semaphore_mem>>)
      %dma_wait3A = arith.constant 0 : i32
      %dma_wait3A_52 = tpu.memref_slice %arg8[%arg1, %dma_wait3A] : memref<16x10240xf32, #tpu.memory_space<vmem_shared>> -> memref<1x10240xf32, #tpu.memory_space<vmem_shared>>
      %dma_wait3A_53 = tpu.memref_squeeze %dma_wait3A_52 : memref<1x10240xf32, #tpu.memory_space<vmem_shared>> -> memref<10240xf32, #tpu.memory_space<vmem_shared>>
      %dma_wait3A_54 = arith.constant 0 : i32
      %dma_wait3A_55 = tpu.memref_slice %arg8[%arg1, %dma_wait3A_54] : memref<16x10240xf32, #tpu.memory_space<vmem_shared>> -> memref<1x10240xf32, #tpu.memory_space<vmem_shared>>
      %dma_wait3A_56 = tpu.memref_squeeze %dma_wait3A_55 : memref<1x10240xf32, #tpu.memory_space<vmem_shared>> -> memref<10240xf32, #tpu.memory_space<vmem_shared>>
      tpu.wait_dma2 semaphore(%run_scoped3A_46 : memref<!tpu.dma_semaphore, #tpu.memory_space<semaphore_mem>>) src(%arg6 : memref<10240xf32, #tpu.memory_space<vmem>>) dst(%dma_wait3A_56 : memref<10240xf32, #tpu.memory_space<vmem_shared>>)
      tpu.yield
    }) : () -> ()
    %barrier3A = arith.constant 0 : index
    tpu.barrier barrier_id(%barrier3A)
    %mul3A_7 = arith.constant 640 : i32
    %mul3A_8 = arith.muli %arg1, %mul3A_7 : i32
    %run_scoped3A = arith.constant 0 : i32
    %run_scoped3A_9 = arith.constant 0 : i32
    "tpu.region"() ({
      %run_scoped3A_46 = tpu.sem_alloc : memref<!tpu.dma_semaphore, #tpu.memory_space<semaphore_mem>>
      %dma_start3A = arith.constant 0 : i32
      %dma_start3A_47 = tpu.memref_slice %arg7[%run_scoped3A_9, %dma_start3A] : memref<16x640xf32, #tpu.memory_space<vmem>> -> memref<1x640xf32, #tpu.memory_space<vmem>>
      %dma_start3A_48 = tpu.memref_squeeze %dma_start3A_47 : memref<1x640xf32, #tpu.memory_space<vmem>> -> memref<640xf32, #tpu.memory_space<vmem>>
      %dma_start3A_49 = tpu.memref_slice %arg8[%run_scoped3A, %mul3A_8] : memref<16x10240xf32, #tpu.memory_space<vmem_shared>> -> memref<1x640xf32, #tpu.memory_space<vmem_shared>>
      %dma_start3A_50 = tpu.memref_squeeze %dma_start3A_49 : memref<1x640xf32, #tpu.memory_space<vmem_shared>> -> memref<640xf32, #tpu.memory_space<vmem_shared>>
      %dma_start3A_51 = arith.constant 0 : i32
      %dma_start3A_52 = tpu.memref_slice %arg7[%run_scoped3A_9, %dma_start3A_51] : memref<16x640xf32, #tpu.memory_space<vmem>> -> memref<1x640xf32, #tpu.memory_space<vmem>>
      %dma_start3A_53 = tpu.memref_squeeze %dma_start3A_52 : memref<1x640xf32, #tpu.memory_space<vmem>> -> memref<640xf32, #tpu.memory_space<vmem>>
      %dma_start3A_54 = tpu.memref_slice %arg8[%run_scoped3A, %mul3A_8] : memref<16x10240xf32, #tpu.memory_space<vmem_shared>> -> memref<1x640xf32, #tpu.memory_space<vmem_shared>>
      %dma_start3A_55 = tpu.memref_squeeze %dma_start3A_54 : memref<1x640xf32, #tpu.memory_space<vmem_shared>> -> memref<640xf32, #tpu.memory_space<vmem_shared>>
      tpu.enqueue_dma source(%dma_start3A_55 : memref<640xf32, #tpu.memory_space<vmem_shared>>) target(%dma_start3A_53 : memref<640xf32, #tpu.memory_space<vmem>>) target_semaphore(%run_scoped3A_46 : memref<!tpu.dma_semaphore, #tpu.memory_space<semaphore_mem>>)
      %dma_wait3A = arith.constant 0 : i32
      %dma_wait3A_56 = tpu.memref_slice %arg7[%run_scoped3A_9, %dma_wait3A] : memref<16x640xf32, #tpu.memory_space<vmem>> -> memref<1x640xf32, #tpu.memory_space<vmem>>
      %dma_wait3A_57 = tpu.memref_squeeze %dma_wait3A_56 : memref<1x640xf32, #tpu.memory_space<vmem>> -> memref<640xf32, #tpu.memory_space<vmem>>
      %dma_wait3A_58 = tpu.memref_slice %arg8[%run_scoped3A, %mul3A_8] : memref<16x10240xf32, #tpu.memory_space<vmem_shared>> -> memref<1x640xf32, #tpu.memory_space<vmem_shared>>
      %dma_wait3A_59 = tpu.memref_squeeze %dma_wait3A_58 : memref<1x640xf32, #tpu.memory_space<vmem_shared>> -> memref<640xf32, #tpu.memory_space<vmem_shared>>
      %dma_wait3A_60 = arith.constant 0 : i32
      %dma_wait3A_61 = tpu.memref_slice %arg7[%run_scoped3A_9, %dma_wait3A_60] : memref<16x640xf32, #tpu.memory_space<vmem>> -> memref<1x640xf32, #tpu.memory_space<vmem>>
      %dma_wait3A_62 = tpu.memref_squeeze %dma_wait3A_61 : memref<1x640xf32, #tpu.memory_space<vmem>> -> memref<640xf32, #tpu.memory_space<vmem>>
      %dma_wait3A_63 = tpu.memref_slice %arg8[%run_scoped3A, %mul3A_8] : memref<16x10240xf32, #tpu.memory_space<vmem_shared>> -> memref<1x640xf32, #tpu.memory_space<vmem_shared>>
      %dma_wait3A_64 = tpu.memref_squeeze %dma_wait3A_63 : memref<1x640xf32, #tpu.memory_space<vmem_shared>> -> memref<640xf32, #tpu.memory_space<vmem_shared>>
      tpu.wait_dma2 semaphore(%run_scoped3A_46 : memref<!tpu.dma_semaphore, #tpu.memory_space<semaphore_mem>>) src(%dma_wait3A_64 : memref<640xf32, #tpu.memory_space<vmem_shared>>) dst(%dma_wait3A_62 : memref<640xf32, #tpu.memory_space<vmem>>)
      tpu.yield
    }) : () -> ()
    %run_scoped3A_10 = arith.constant 1 : i32
    %run_scoped3A_11 = arith.constant 1 : i32
    "tpu.region"() ({
      %run_scoped3A_46 = tpu.sem_alloc : memref<!tpu.dma_semaphore, #tpu.memory_space<semaphore_mem>>
      %dma_start3A = arith.constant 0 : i32
      %dma_start3A_47 = tpu.memref_slice %arg7[%run_scoped3A_11, %dma_start3A] : memref<16x640xf32, #tpu.memory_space<vmem>> -> memref<1x640xf32, #tpu.memory_space<vmem>>
      %dma_start3A_48 = tpu.memref_squeeze %dma_start3A_47 : memref<1x640xf32, #tpu.memory_space<vmem>> -> memref<640xf32, #tpu.memory_space<vmem>>
      %dma_start3A_49 = tpu.memref_slice %arg8[%run_scoped3A_10, %mul3A_8] : memref<16x10240xf32, #tpu.memory_space<vmem_shared>> -> memref<1x640xf32, #tpu.memory_space<vmem_shared>>
      %dma_start3A_50 = tpu.memref_squeeze %dma_start3A_49 : memref<1x640xf32, #tpu.memory_space<vmem_shared>> -> memref<640xf32, #tpu.memory_space<vmem_shared>>
      %dma_start3A_51 = arith.constant 0 : i32
      %dma_start3A_52 = tpu.memref_slice %arg7[%run_scoped3A_11, %dma_start3A_51] : memref<16x640xf32, #tpu.memory_space<vmem>> -> memref<1x640xf32, #tpu.memory_space<vmem>>
      %dma_start3A_53 = tpu.memref_squeeze %dma_start3A_52 : memref<1x640xf32, #tpu.memory_space<vmem>> -> memref<640xf32, #tpu.memory_space<vmem>>
      %dma_start3A_54 = tpu.memref_slice %arg8[%run_scoped3A_10, %mul3A_8] : memref<16x10240xf32, #tpu.memory_space<vmem_shared>> -> memref<1x640xf32, #tpu.memory_space<vmem_shared>>
      %dma_start3A_55 = tpu.memref_squeeze %dma_start3A_54 : memref<1x640xf32, #tpu.memory_space<vmem_shared>> -> memref<640xf32, #tpu.memory_space<vmem_shared>>
      tpu.enqueue_dma source(%dma_start3A_55 : memref<640xf32, #tpu.memory_space<vmem_shared>>) target(%dma_start3A_53 : memref<640xf32, #tpu.memory_space<vmem>>) target_semaphore(%run_scoped3A_46 : memref<!tpu.dma_semaphore, #tpu.memory_space<semaphore_mem>>)
      %dma_wait3A = arith.constant 0 : i32
      %dma_wait3A_56 = tpu.memref_slice %arg7[%run_scoped3A_11, %dma_wait3A] : memref<16x640xf32, #tpu.memory_space<vmem>> -> memref<1x640xf32, #tpu.memory_space<vmem>>
      %dma_wait3A_57 = tpu.memref_squeeze %dma_wait3A_56 : memref<1x640xf32, #tpu.memory_space<vmem>> -> memref<640xf32, #tpu.memory_space<vmem>>
      %dma_wait3A_58 = tpu.memref_slice %arg8[%run_scoped3A_10, %mul3A_8] : memref<16x10240xf32, #tpu.memory_space<vmem_shared>> -> memref<1x640xf32, #tpu.memory_space<vmem_shared>>
      %dma_wait3A_59 = tpu.memref_squeeze %dma_wait3A_58 : memref<1x640xf32, #tpu.memory_space<vmem_shared>> -> memref<640xf32, #tpu.memory_space<vmem_shared>>
      %dma_wait3A_60 = arith.constant 0 : i32
      %dma_wait3A_61 = tpu.memref_slice %arg7[%run_scoped3A_11, %dma_wait3A_60] : memref<16x640xf32, #tpu.memory_space<vmem>> -> memref<1x640xf32, #tpu.memory_space<vmem>>
      %dma_wait3A_62 = tpu.memref_squeeze %dma_wait3A_61 : memref<1x640xf32, #tpu.memory_space<vmem>> -> memref<640xf32, #tpu.memory_space<vmem>>
      %dma_wait3A_63 = tpu.memref_slice %arg8[%run_scoped3A_10, %mul3A_8] : memref<16x10240xf32, #tpu.memory_space<vmem_shared>> -> memref<1x640xf32, #tpu.memory_space<vmem_shared>>
      %dma_wait3A_64 = tpu.memref_squeeze %dma_wait3A_63 : memref<1x640xf32, #tpu.memory_space<vmem_shared>> -> memref<640xf32, #tpu.memory_space<vmem_shared>>
      tpu.wait_dma2 semaphore(%run_scoped3A_46 : memref<!tpu.dma_semaphore, #tpu.memory_space<semaphore_mem>>) src(%dma_wait3A_64 : memref<640xf32, #tpu.memory_space<vmem_shared>>) dst(%dma_wait3A_62 : memref<640xf32, #tpu.memory_space<vmem>>)
      tpu.yield
    }) : () -> ()
    %run_scoped3A_12 = arith.constant 2 : i32
    %run_scoped3A_13 = arith.constant 2 : i32
    "tpu.region"() ({
      %run_scoped3A_46 = tpu.sem_alloc : memref<!tpu.dma_semaphore, #tpu.memory_space<semaphore_mem>>
      %dma_start3A = arith.constant 0 : i32
      %dma_start3A_47 = tpu.memref_slice %arg7[%run_scoped3A_13, %dma_start3A] : memref<16x640xf32, #tpu.memory_space<vmem>> -> memref<1x640xf32, #tpu.memory_space<vmem>>
      %dma_start3A_48 = tpu.memref_squeeze %dma_start3A_47 : memref<1x640xf32, #tpu.memory_space<vmem>> -> memref<640xf32, #tpu.memory_space<vmem>>
      %dma_start3A_49 = tpu.memref_slice %arg8[%run_scoped3A_12, %mul3A_8] : memref<16x10240xf32, #tpu.memory_space<vmem_shared>> -> memref<1x640xf32, #tpu.memory_space<vmem_shared>>
      %dma_start3A_50 = tpu.memref_squeeze %dma_start3A_49 : memref<1x640xf32, #tpu.memory_space<vmem_shared>> -> memref<640xf32, #tpu.memory_space<vmem_shared>>
      %dma_start3A_51 = arith.constant 0 : i32
      %dma_start3A_52 = tpu.memref_slice %arg7[%run_scoped3A_13, %dma_start3A_51] : memref<16x640xf32, #tpu.memory_space<vmem>> -> memref<1x640xf32, #tpu.memory_space<vmem>>
      %dma_start3A_53 = tpu.memref_squeeze %dma_start3A_52 : memref<1x640xf32, #tpu.memory_space<vmem>> -> memref<640xf32, #tpu.memory_space<vmem>>
      %dma_start3A_54 = tpu.memref_slice %arg8[%run_scoped3A_12, %mul3A_8] : memref<16x10240xf32, #tpu.memory_space<vmem_shared>> -> memref<1x640xf32, #tpu.memory_space<vmem_shared>>
      %dma_start3A_55 = tpu.memref_squeeze %dma_start3A_54 : memref<1x640xf32, #tpu.memory_space<vmem_shared>> -> memref<640xf32, #tpu.memory_space<vmem_shared>>
      tpu.enqueue_dma source(%dma_start3A_55 : memref<640xf32, #tpu.memory_space<vmem_shared>>) target(%dma_start3A_53 : memref<640xf32, #tpu.memory_space<vmem>>) target_semaphore(%run_scoped3A_46 : memref<!tpu.dma_semaphore, #tpu.memory_space<semaphore_mem>>)
      %dma_wait3A = arith.constant 0 : i32
      %dma_wait3A_56 = tpu.memref_slice %arg7[%run_scoped3A_13, %dma_wait3A] : memref<16x640xf32, #tpu.memory_space<vmem>> -> memref<1x640xf32, #tpu.memory_space<vmem>>
      %dma_wait3A_57 = tpu.memref_squeeze %dma_wait3A_56 : memref<1x640xf32, #tpu.memory_space<vmem>> -> memref<640xf32, #tpu.memory_space<vmem>>
      %dma_wait3A_58 = tpu.memref_slice %arg8[%run_scoped3A_12, %mul3A_8] : memref<16x10240xf32, #tpu.memory_space<vmem_shared>> -> memref<1x640xf32, #tpu.memory_space<vmem_shared>>
      %dma_wait3A_59 = tpu.memref_squeeze %dma_wait3A_58 : memref<1x640xf32, #tpu.memory_space<vmem_shared>> -> memref<640xf32, #tpu.memory_space<vmem_shared>>
      %dma_wait3A_60 = arith.constant 0 : i32
      %dma_wait3A_61 = tpu.memref_slice %arg7[%run_scoped3A_13, %dma_wait3A_60] : memref<16x640xf32, #tpu.memory_space<vmem>> -> memref<1x640xf32, #tpu.memory_space<vmem>>
      %dma_wait3A_62 = tpu.memref_squeeze %dma_wait3A_61 : memref<1x640xf32, #tpu.memory_space<vmem>> -> memref<640xf32, #tpu.memory_space<vmem>>
      %dma_wait3A_63 = tpu.memref_slice %arg8[%run_scoped3A_12, %mul3A_8] : memref<16x10240xf32, #tpu.memory_space<vmem_shared>> -> memref<1x640xf32, #tpu.memory_space<vmem_shared>>
      %dma_wait3A_64 = tpu.memref_squeeze %dma_wait3A_63 : memref<1x640xf32, #tpu.memory_space<vmem_shared>> -> memref<640xf32, #tpu.memory_space<vmem_shared>>
      tpu.wait_dma2 semaphore(%run_scoped3A_46 : memref<!tpu.dma_semaphore, #tpu.memory_space<semaphore_mem>>) src(%dma_wait3A_64 : memref<640xf32, #tpu.memory_space<vmem_shared>>) dst(%dma_wait3A_62 : memref<640xf32, #tpu.memory_space<vmem>>)
      tpu.yield
    }) : () -> ()
    %run_scoped3A_14 = arith.constant 3 : i32
    %run_scoped3A_15 = arith.constant 3 : i32
    "tpu.region"() ({
      %run_scoped3A_46 = tpu.sem_alloc : memref<!tpu.dma_semaphore, #tpu.memory_space<semaphore_mem>>
      %dma_start3A = arith.constant 0 : i32
      %dma_start3A_47 = tpu.memref_slice %arg7[%run_scoped3A_15, %dma_start3A] : memref<16x640xf32, #tpu.memory_space<vmem>> -> memref<1x640xf32, #tpu.memory_space<vmem>>
      %dma_start3A_48 = tpu.memref_squeeze %dma_start3A_47 : memref<1x640xf32, #tpu.memory_space<vmem>> -> memref<640xf32, #tpu.memory_space<vmem>>
      %dma_start3A_49 = tpu.memref_slice %arg8[%run_scoped3A_14, %mul3A_8] : memref<16x10240xf32, #tpu.memory_space<vmem_shared>> -> memref<1x640xf32, #tpu.memory_space<vmem_shared>>
      %dma_start3A_50 = tpu.memref_squeeze %dma_start3A_49 : memref<1x640xf32, #tpu.memory_space<vmem_shared>> -> memref<640xf32, #tpu.memory_space<vmem_shared>>
      %dma_start3A_51 = arith.constant 0 : i32
      %dma_start3A_52 = tpu.memref_slice %arg7[%run_scoped3A_15, %dma_start3A_51] : memref<16x640xf32, #tpu.memory_space<vmem>> -> memref<1x640xf32, #tpu.memory_space<vmem>>
      %dma_start3A_53 = tpu.memref_squeeze %dma_start3A_52 : memref<1x640xf32, #tpu.memory_space<vmem>> -> memref<640xf32, #tpu.memory_space<vmem>>
      %dma_start3A_54 = tpu.memref_slice %arg8[%run_scoped3A_14, %mul3A_8] : memref<16x10240xf32, #tpu.memory_space<vmem_shared>> -> memref<1x640xf32, #tpu.memory_space<vmem_shared>>
      %dma_start3A_55 = tpu.memref_squeeze %dma_start3A_54 : memref<1x640xf32, #tpu.memory_space<vmem_shared>> -> memref<640xf32, #tpu.memory_space<vmem_shared>>
      tpu.enqueue_dma source(%dma_start3A_55 : memref<640xf32, #tpu.memory_space<vmem_shared>>) target(%dma_start3A_53 : memref<640xf32, #tpu.memory_space<vmem>>) target_semaphore(%run_scoped3A_46 : memref<!tpu.dma_semaphore, #tpu.memory_space<semaphore_mem>>)
      %dma_wait3A = arith.constant 0 : i32
      %dma_wait3A_56 = tpu.memref_slice %arg7[%run_scoped3A_15, %dma_wait3A] : memref<16x640xf32, #tpu.memory_space<vmem>> -> memref<1x640xf32, #tpu.memory_space<vmem>>
      %dma_wait3A_57 = tpu.memref_squeeze %dma_wait3A_56 : memref<1x640xf32, #tpu.memory_space<vmem>> -> memref<640xf32, #tpu.memory_space<vmem>>
      %dma_wait3A_58 = tpu.memref_slice %arg8[%run_scoped3A_14, %mul3A_8] : memref<16x10240xf32, #tpu.memory_space<vmem_shared>> -> memref<1x640xf32, #tpu.memory_space<vmem_shared>>
      %dma_wait3A_59 = tpu.memref_squeeze %dma_wait3A_58 : memref<1x640xf32, #tpu.memory_space<vmem_shared>> -> memref<640xf32, #tpu.memory_space<vmem_shared>>
      %dma_wait3A_60 = arith.constant 0 : i32
      %dma_wait3A_61 = tpu.memref_slice %arg7[%run_scoped3A_15, %dma_wait3A_60] : memref<16x640xf32, #tpu.memory_space<vmem>> -> memref<1x640xf32, #tpu.memory_space<vmem>>
      %dma_wait3A_62 = tpu.memref_squeeze %dma_wait3A_61 : memref<1x640xf32, #tpu.memory_space<vmem>> -> memref<640xf32, #tpu.memory_space<vmem>>
      %dma_wait3A_63 = tpu.memref_slice %arg8[%run_scoped3A_14, %mul3A_8] : memref<16x10240xf32, #tpu.memory_space<vmem_shared>> -> memref<1x640xf32, #tpu.memory_space<vmem_shared>>
      %dma_wait3A_64 = tpu.memref_squeeze %dma_wait3A_63 : memref<1x640xf32, #tpu.memory_space<vmem_shared>> -> memref<640xf32, #tpu.memory_space<vmem_shared>>
      tpu.wait_dma2 semaphore(%run_scoped3A_46 : memref<!tpu.dma_semaphore, #tpu.memory_space<semaphore_mem>>) src(%dma_wait3A_64 : memref<640xf32, #tpu.memory_space<vmem_shared>>) dst(%dma_wait3A_62 : memref<640xf32, #tpu.memory_space<vmem>>)
      tpu.yield
    }) : () -> ()
    %run_scoped3A_16 = arith.constant 4 : i32
    %run_scoped3A_17 = arith.constant 4 : i32
    "tpu.region"() ({
      %run_scoped3A_46 = tpu.sem_alloc : memref<!tpu.dma_semaphore, #tpu.memory_space<semaphore_mem>>
      %dma_start3A = arith.constant 0 : i32
      %dma_start3A_47 = tpu.memref_slice %arg7[%run_scoped3A_17, %dma_start3A] : memref<16x640xf32, #tpu.memory_space<vmem>> -> memref<1x640xf32, #tpu.memory_space<vmem>>
      %dma_start3A_48 = tpu.memref_squeeze %dma_start3A_47 : memref<1x640xf32, #tpu.memory_space<vmem>> -> memref<640xf32, #tpu.memory_space<vmem>>
      %dma_start3A_49 = tpu.memref_slice %arg8[%run_scoped3A_16, %mul3A_8] : memref<16x10240xf32, #tpu.memory_space<vmem_shared>> -> memref<1x640xf32, #tpu.memory_space<vmem_shared>>
      %dma_start3A_50 = tpu.memref_squeeze %dma_start3A_49 : memref<1x640xf32, #tpu.memory_space<vmem_shared>> -> memref<640xf32, #tpu.memory_space<vmem_shared>>
      %dma_start3A_51 = arith.constant 0 : i32
      %dma_start3A_52 = tpu.memref_slice %arg7[%run_scoped3A_17, %dma_start3A_51] : memref<16x640xf32, #tpu.memory_space<vmem>> -> memref<1x640xf32, #tpu.memory_space<vmem>>
      %dma_start3A_53 = tpu.memref_squeeze %dma_start3A_52 : memref<1x640xf32, #tpu.memory_space<vmem>> -> memref<640xf32, #tpu.memory_space<vmem>>
      %dma_start3A_54 = tpu.memref_slice %arg8[%run_scoped3A_16, %mul3A_8] : memref<16x10240xf32, #tpu.memory_space<vmem_shared>> -> memref<1x640xf32, #tpu.memory_space<vmem_shared>>
      %dma_start3A_55 = tpu.memref_squeeze %dma_start3A_54 : memref<1x640xf32, #tpu.memory_space<vmem_shared>> -> memref<640xf32, #tpu.memory_space<vmem_shared>>
      tpu.enqueue_dma source(%dma_start3A_55 : memref<640xf32, #tpu.memory_space<vmem_shared>>) target(%dma_start3A_53 : memref<640xf32, #tpu.memory_space<vmem>>) target_semaphore(%run_scoped3A_46 : memref<!tpu.dma_semaphore, #tpu.memory_space<semaphore_mem>>)
      %dma_wait3A = arith.constant 0 : i32
      %dma_wait3A_56 = tpu.memref_slice %arg7[%run_scoped3A_17, %dma_wait3A] : memref<16x640xf32, #tpu.memory_space<vmem>> -> memref<1x640xf32, #tpu.memory_space<vmem>>
      %dma_wait3A_57 = tpu.memref_squeeze %dma_wait3A_56 : memref<1x640xf32, #tpu.memory_space<vmem>> -> memref<640xf32, #tpu.memory_space<vmem>>
      %dma_wait3A_58 = tpu.memref_slice %arg8[%run_scoped3A_16, %mul3A_8] : memref<16x10240xf32, #tpu.memory_space<vmem_shared>> -> memref<1x640xf32, #tpu.memory_space<vmem_shared>>
      %dma_wait3A_59 = tpu.memref_squeeze %dma_wait3A_58 : memref<1x640xf32, #tpu.memory_space<vmem_shared>> -> memref<640xf32, #tpu.memory_space<vmem_shared>>
      %dma_wait3A_60 = arith.constant 0 : i32
      %dma_wait3A_61 = tpu.memref_slice %arg7[%run_scoped3A_17, %dma_wait3A_60] : memref<16x640xf32, #tpu.memory_space<vmem>> -> memref<1x640xf32, #tpu.memory_space<vmem>>
      %dma_wait3A_62 = tpu.memref_squeeze %dma_wait3A_61 : memref<1x640xf32, #tpu.memory_space<vmem>> -> memref<640xf32, #tpu.memory_space<vmem>>
      %dma_wait3A_63 = tpu.memref_slice %arg8[%run_scoped3A_16, %mul3A_8] : memref<16x10240xf32, #tpu.memory_space<vmem_shared>> -> memref<1x640xf32, #tpu.memory_space<vmem_shared>>
      %dma_wait3A_64 = tpu.memref_squeeze %dma_wait3A_63 : memref<1x640xf32, #tpu.memory_space<vmem_shared>> -> memref<640xf32, #tpu.memory_space<vmem_shared>>
      tpu.wait_dma2 semaphore(%run_scoped3A_46 : memref<!tpu.dma_semaphore, #tpu.memory_space<semaphore_mem>>) src(%dma_wait3A_64 : memref<640xf32, #tpu.memory_space<vmem_shared>>) dst(%dma_wait3A_62 : memref<640xf32, #tpu.memory_space<vmem>>)
      tpu.yield
    }) : () -> ()
    %run_scoped3A_18 = arith.constant 5 : i32
    %run_scoped3A_19 = arith.constant 5 : i32
    "tpu.region"() ({
      %run_scoped3A_46 = tpu.sem_alloc : memref<!tpu.dma_semaphore, #tpu.memory_space<semaphore_mem>>
      %dma_start3A = arith.constant 0 : i32
      %dma_start3A_47 = tpu.memref_slice %arg7[%run_scoped3A_19, %dma_start3A] : memref<16x640xf32, #tpu.memory_space<vmem>> -> memref<1x640xf32, #tpu.memory_space<vmem>>
      %dma_start3A_48 = tpu.memref_squeeze %dma_start3A_47 : memref<1x640xf32, #tpu.memory_space<vmem>> -> memref<640xf32, #tpu.memory_space<vmem>>
      %dma_start3A_49 = tpu.memref_slice %arg8[%run_scoped3A_18, %mul3A_8] : memref<16x10240xf32, #tpu.memory_space<vmem_shared>> -> memref<1x640xf32, #tpu.memory_space<vmem_shared>>
      %dma_start3A_50 = tpu.memref_squeeze %dma_start3A_49 : memref<1x640xf32, #tpu.memory_space<vmem_shared>> -> memref<640xf32, #tpu.memory_space<vmem_shared>>
      %dma_start3A_51 = arith.constant 0 : i32
      %dma_start3A_52 = tpu.memref_slice %arg7[%run_scoped3A_19, %dma_start3A_51] : memref<16x640xf32, #tpu.memory_space<vmem>> -> memref<1x640xf32, #tpu.memory_space<vmem>>
      %dma_start3A_53 = tpu.memref_squeeze %dma_start3A_52 : memref<1x640xf32, #tpu.memory_space<vmem>> -> memref<640xf32, #tpu.memory_space<vmem>>
      %dma_start3A_54 = tpu.memref_slice %arg8[%run_scoped3A_18, %mul3A_8] : memref<16x10240xf32, #tpu.memory_space<vmem_shared>> -> memref<1x640xf32, #tpu.memory_space<vmem_shared>>
      %dma_start3A_55 = tpu.memref_squeeze %dma_start3A_54 : memref<1x640xf32, #tpu.memory_space<vmem_shared>> -> memref<640xf32, #tpu.memory_space<vmem_shared>>
      tpu.enqueue_dma source(%dma_start3A_55 : memref<640xf32, #tpu.memory_space<vmem_shared>>) target(%dma_start3A_53 : memref<640xf32, #tpu.memory_space<vmem>>) target_semaphore(%run_scoped3A_46 : memref<!tpu.dma_semaphore, #tpu.memory_space<semaphore_mem>>)
      %dma_wait3A = arith.constant 0 : i32
      %dma_wait3A_56 = tpu.memref_slice %arg7[%run_scoped3A_19, %dma_wait3A] : memref<16x640xf32, #tpu.memory_space<vmem>> -> memref<1x640xf32, #tpu.memory_space<vmem>>
      %dma_wait3A_57 = tpu.memref_squeeze %dma_wait3A_56 : memref<1x640xf32, #tpu.memory_space<vmem>> -> memref<640xf32, #tpu.memory_space<vmem>>
      %dma_wait3A_58 = tpu.memref_slice %arg8[%run_scoped3A_18, %mul3A_8] : memref<16x10240xf32, #tpu.memory_space<vmem_shared>> -> memref<1x640xf32, #tpu.memory_space<vmem_shared>>
      %dma_wait3A_59 = tpu.memref_squeeze %dma_wait3A_58 : memref<1x640xf32, #tpu.memory_space<vmem_shared>> -> memref<640xf32, #tpu.memory_space<vmem_shared>>
      %dma_wait3A_60 = arith.constant 0 : i32
      %dma_wait3A_61 = tpu.memref_slice %arg7[%run_scoped3A_19, %dma_wait3A_60] : memref<16x640xf32, #tpu.memory_space<vmem>> -> memref<1x640xf32, #tpu.memory_space<vmem>>
      %dma_wait3A_62 = tpu.memref_squeeze %dma_wait3A_61 : memref<1x640xf32, #tpu.memory_space<vmem>> -> memref<640xf32, #tpu.memory_space<vmem>>
      %dma_wait3A_63 = tpu.memref_slice %arg8[%run_scoped3A_18, %mul3A_8] : memref<16x10240xf32, #tpu.memory_space<vmem_shared>> -> memref<1x640xf32, #tpu.memory_space<vmem_shared>>
      %dma_wait3A_64 = tpu.memref_squeeze %dma_wait3A_63 : memref<1x640xf32, #tpu.memory_space<vmem_shared>> -> memref<640xf32, #tpu.memory_space<vmem_shared>>
      tpu.wait_dma2 semaphore(%run_scoped3A_46 : memref<!tpu.dma_semaphore, #tpu.memory_space<semaphore_mem>>) src(%dma_wait3A_64 : memref<640xf32, #tpu.memory_space<vmem_shared>>) dst(%dma_wait3A_62 : memref<640xf32, #tpu.memory_space<vmem>>)
      tpu.yield
    }) : () -> ()
    %run_scoped3A_20 = arith.constant 6 : i32
    %run_scoped3A_21 = arith.constant 6 : i32
    "tpu.region"() ({
      %run_scoped3A_46 = tpu.sem_alloc : memref<!tpu.dma_semaphore, #tpu.memory_space<semaphore_mem>>
      %dma_start3A = arith.constant 0 : i32
      %dma_start3A_47 = tpu.memref_slice %arg7[%run_scoped3A_21, %dma_start3A] : memref<16x640xf32, #tpu.memory_space<vmem>> -> memref<1x640xf32, #tpu.memory_space<vmem>>
      %dma_start3A_48 = tpu.memref_squeeze %dma_start3A_47 : memref<1x640xf32, #tpu.memory_space<vmem>> -> memref<640xf32, #tpu.memory_space<vmem>>
      %dma_start3A_49 = tpu.memref_slice %arg8[%run_scoped3A_20, %mul3A_8] : memref<16x10240xf32, #tpu.memory_space<vmem_shared>> -> memref<1x640xf32, #tpu.memory_space<vmem_shared>>
      %dma_start3A_50 = tpu.memref_squeeze %dma_start3A_49 : memref<1x640xf32, #tpu.memory_space<vmem_shared>> -> memref<640xf32, #tpu.memory_space<vmem_shared>>
      %dma_start3A_51 = arith.constant 0 : i32
      %dma_start3A_52 = tpu.memref_slice %arg7[%run_scoped3A_21, %dma_start3A_51] : memref<16x640xf32, #tpu.memory_space<vmem>> -> memref<1x640xf32, #tpu.memory_space<vmem>>
      %dma_start3A_53 = tpu.memref_squeeze %dma_start3A_52 : memref<1x640xf32, #tpu.memory_space<vmem>> -> memref<640xf32, #tpu.memory_space<vmem>>
      %dma_start3A_54 = tpu.memref_slice %arg8[%run_scoped3A_20, %mul3A_8] : memref<16x10240xf32, #tpu.memory_space<vmem_shared>> -> memref<1x640xf32, #tpu.memory_space<vmem_shared>>
      %dma_start3A_55 = tpu.memref_squeeze %dma_start3A_54 : memref<1x640xf32, #tpu.memory_space<vmem_shared>> -> memref<640xf32, #tpu.memory_space<vmem_shared>>
      tpu.enqueue_dma source(%dma_start3A_55 : memref<640xf32, #tpu.memory_space<vmem_shared>>) target(%dma_start3A_53 : memref<640xf32, #tpu.memory_space<vmem>>) target_semaphore(%run_scoped3A_46 : memref<!tpu.dma_semaphore, #tpu.memory_space<semaphore_mem>>)
      %dma_wait3A = arith.constant 0 : i32
      %dma_wait3A_56 = tpu.memref_slice %arg7[%run_scoped3A_21, %dma_wait3A] : memref<16x640xf32, #tpu.memory_space<vmem>> -> memref<1x640xf32, #tpu.memory_space<vmem>>
      %dma_wait3A_57 = tpu.memref_squeeze %dma_wait3A_56 : memref<1x640xf32, #tpu.memory_space<vmem>> -> memref<640xf32, #tpu.memory_space<vmem>>
      %dma_wait3A_58 = tpu.memref_slice %arg8[%run_scoped3A_20, %mul3A_8] : memref<16x10240xf32, #tpu.memory_space<vmem_shared>> -> memref<1x640xf32, #tpu.memory_space<vmem_shared>>
      %dma_wait3A_59 = tpu.memref_squeeze %dma_wait3A_58 : memref<1x640xf32, #tpu.memory_space<vmem_shared>> -> memref<640xf32, #tpu.memory_space<vmem_shared>>
      %dma_wait3A_60 = arith.constant 0 : i32
      %dma_wait3A_61 = tpu.memref_slice %arg7[%run_scoped3A_21, %dma_wait3A_60] : memref<16x640xf32, #tpu.memory_space<vmem>> -> memref<1x640xf32, #tpu.memory_space<vmem>>
      %dma_wait3A_62 = tpu.memref_squeeze %dma_wait3A_61 : memref<1x640xf32, #tpu.memory_space<vmem>> -> memref<640xf32, #tpu.memory_space<vmem>>
      %dma_wait3A_63 = tpu.memref_slice %arg8[%run_scoped3A_20, %mul3A_8] : memref<16x10240xf32, #tpu.memory_space<vmem_shared>> -> memref<1x640xf32, #tpu.memory_space<vmem_shared>>
      %dma_wait3A_64 = tpu.memref_squeeze %dma_wait3A_63 : memref<1x640xf32, #tpu.memory_space<vmem_shared>> -> memref<640xf32, #tpu.memory_space<vmem_shared>>
      tpu.wait_dma2 semaphore(%run_scoped3A_46 : memref<!tpu.dma_semaphore, #tpu.memory_space<semaphore_mem>>) src(%dma_wait3A_64 : memref<640xf32, #tpu.memory_space<vmem_shared>>) dst(%dma_wait3A_62 : memref<640xf32, #tpu.memory_space<vmem>>)
      tpu.yield
    }) : () -> ()
    %run_scoped3A_22 = arith.constant 7 : i32
    %run_scoped3A_23 = arith.constant 7 : i32
    "tpu.region"() ({
      %run_scoped3A_46 = tpu.sem_alloc : memref<!tpu.dma_semaphore, #tpu.memory_space<semaphore_mem>>
      %dma_start3A = arith.constant 0 : i32
      %dma_start3A_47 = tpu.memref_slice %arg7[%run_scoped3A_23, %dma_start3A] : memref<16x640xf32, #tpu.memory_space<vmem>> -> memref<1x640xf32, #tpu.memory_space<vmem>>
      %dma_start3A_48 = tpu.memref_squeeze %dma_start3A_47 : memref<1x640xf32, #tpu.memory_space<vmem>> -> memref<640xf32, #tpu.memory_space<vmem>>
      %dma_start3A_49 = tpu.memref_slice %arg8[%run_scoped3A_22, %mul3A_8] : memref<16x10240xf32, #tpu.memory_space<vmem_shared>> -> memref<1x640xf32, #tpu.memory_space<vmem_shared>>
      %dma_start3A_50 = tpu.memref_squeeze %dma_start3A_49 : memref<1x640xf32, #tpu.memory_space<vmem_shared>> -> memref<640xf32, #tpu.memory_space<vmem_shared>>
      %dma_start3A_51 = arith.constant 0 : i32
      %dma_start3A_52 = tpu.memref_slice %arg7[%run_scoped3A_23, %dma_start3A_51] : memref<16x640xf32, #tpu.memory_space<vmem>> -> memref<1x640xf32, #tpu.memory_space<vmem>>
      %dma_start3A_53 = tpu.memref_squeeze %dma_start3A_52 : memref<1x640xf32, #tpu.memory_space<vmem>> -> memref<640xf32, #tpu.memory_space<vmem>>
      %dma_start3A_54 = tpu.memref_slice %arg8[%run_scoped3A_22, %mul3A_8] : memref<16x10240xf32, #tpu.memory_space<vmem_shared>> -> memref<1x640xf32, #tpu.memory_space<vmem_shared>>
      %dma_start3A_55 = tpu.memref_squeeze %dma_start3A_54 : memref<1x640xf32, #tpu.memory_space<vmem_shared>> -> memref<640xf32, #tpu.memory_space<vmem_shared>>
      tpu.enqueue_dma source(%dma_start3A_55 : memref<640xf32, #tpu.memory_space<vmem_shared>>) target(%dma_start3A_53 : memref<640xf32, #tpu.memory_space<vmem>>) target_semaphore(%run_scoped3A_46 : memref<!tpu.dma_semaphore, #tpu.memory_space<semaphore_mem>>)
      %dma_wait3A = arith.constant 0 : i32
      %dma_wait3A_56 = tpu.memref_slice %arg7[%run_scoped3A_23, %dma_wait3A] : memref<16x640xf32, #tpu.memory_space<vmem>> -> memref<1x640xf32, #tpu.memory_space<vmem>>
      %dma_wait3A_57 = tpu.memref_squeeze %dma_wait3A_56 : memref<1x640xf32, #tpu.memory_space<vmem>> -> memref<640xf32, #tpu.memory_space<vmem>>
      %dma_wait3A_58 = tpu.memref_slice %arg8[%run_scoped3A_22, %mul3A_8] : memref<16x10240xf32, #tpu.memory_space<vmem_shared>> -> memref<1x640xf32, #tpu.memory_space<vmem_shared>>
      %dma_wait3A_59 = tpu.memref_squeeze %dma_wait3A_58 : memref<1x640xf32, #tpu.memory_space<vmem_shared>> -> memref<640xf32, #tpu.memory_space<vmem_shared>>
      %dma_wait3A_60 = arith.constant 0 : i32
      %dma_wait3A_61 = tpu.memref_slice %arg7[%run_scoped3A_23, %dma_wait3A_60] : memref<16x640xf32, #tpu.memory_space<vmem>> -> memref<1x640xf32, #tpu.memory_space<vmem>>
      %dma_wait3A_62 = tpu.memref_squeeze %dma_wait3A_61 : memref<1x640xf32, #tpu.memory_space<vmem>> -> memref<640xf32, #tpu.memory_space<vmem>>
      %dma_wait3A_63 = tpu.memref_slice %arg8[%run_scoped3A_22, %mul3A_8] : memref<16x10240xf32, #tpu.memory_space<vmem_shared>> -> memref<1x640xf32, #tpu.memory_space<vmem_shared>>
      %dma_wait3A_64 = tpu.memref_squeeze %dma_wait3A_63 : memref<1x640xf32, #tpu.memory_space<vmem_shared>> -> memref<640xf32, #tpu.memory_space<vmem_shared>>
      tpu.wait_dma2 semaphore(%run_scoped3A_46 : memref<!tpu.dma_semaphore, #tpu.memory_space<semaphore_mem>>) src(%dma_wait3A_64 : memref<640xf32, #tpu.memory_space<vmem_shared>>) dst(%dma_wait3A_62 : memref<640xf32, #tpu.memory_space<vmem>>)
      tpu.yield
    }) : () -> ()
    %run_scoped3A_24 = arith.constant 8 : i32
    %run_scoped3A_25 = arith.constant 8 : i32
    "tpu.region"() ({
      %run_scoped3A_46 = tpu.sem_alloc : memref<!tpu.dma_semaphore, #tpu.memory_space<semaphore_mem>>
      %dma_start3A = arith.constant 0 : i32
      %dma_start3A_47 = tpu.memref_slice %arg7[%run_scoped3A_25, %dma_start3A] : memref<16x640xf32, #tpu.memory_space<vmem>> -> memref<1x640xf32, #tpu.memory_space<vmem>>
      %dma_start3A_48 = tpu.memref_squeeze %dma_start3A_47 : memref<1x640xf32, #tpu.memory_space<vmem>> -> memref<640xf32, #tpu.memory_space<vmem>>
      %dma_start3A_49 = tpu.memref_slice %arg8[%run_scoped3A_24, %mul3A_8] : memref<16x10240xf32, #tpu.memory_space<vmem_shared>> -> memref<1x640xf32, #tpu.memory_space<vmem_shared>>
      %dma_start3A_50 = tpu.memref_squeeze %dma_start3A_49 : memref<1x640xf32, #tpu.memory_space<vmem_shared>> -> memref<640xf32, #tpu.memory_space<vmem_shared>>
      %dma_start3A_51 = arith.constant 0 : i32
      %dma_start3A_52 = tpu.memref_slice %arg7[%run_scoped3A_25, %dma_start3A_51] : memref<16x640xf32, #tpu.memory_space<vmem>> -> memref<1x640xf32, #tpu.memory_space<vmem>>
      %dma_start3A_53 = tpu.memref_squeeze %dma_start3A_52 : memref<1x640xf32, #tpu.memory_space<vmem>> -> memref<640xf32, #tpu.memory_space<vmem>>
      %dma_start3A_54 = tpu.memref_slice %arg8[%run_scoped3A_24, %mul3A_8] : memref<16x10240xf32, #tpu.memory_space<vmem_shared>> -> memref<1x640xf32, #tpu.memory_space<vmem_shared>>
      %dma_start3A_55 = tpu.memref_squeeze %dma_start3A_54 : memref<1x640xf32, #tpu.memory_space<vmem_shared>> -> memref<640xf32, #tpu.memory_space<vmem_shared>>
      tpu.enqueue_dma source(%dma_start3A_55 : memref<640xf32, #tpu.memory_space<vmem_shared>>) target(%dma_start3A_53 : memref<640xf32, #tpu.memory_space<vmem>>) target_semaphore(%run_scoped3A_46 : memref<!tpu.dma_semaphore, #tpu.memory_space<semaphore_mem>>)
      %dma_wait3A = arith.constant 0 : i32
      %dma_wait3A_56 = tpu.memref_slice %arg7[%run_scoped3A_25, %dma_wait3A] : memref<16x640xf32, #tpu.memory_space<vmem>> -> memref<1x640xf32, #tpu.memory_space<vmem>>
      %dma_wait3A_57 = tpu.memref_squeeze %dma_wait3A_56 : memref<1x640xf32, #tpu.memory_space<vmem>> -> memref<640xf32, #tpu.memory_space<vmem>>
      %dma_wait3A_58 = tpu.memref_slice %arg8[%run_scoped3A_24, %mul3A_8] : memref<16x10240xf32, #tpu.memory_space<vmem_shared>> -> memref<1x640xf32, #tpu.memory_space<vmem_shared>>
      %dma_wait3A_59 = tpu.memref_squeeze %dma_wait3A_58 : memref<1x640xf32, #tpu.memory_space<vmem_shared>> -> memref<640xf32, #tpu.memory_space<vmem_shared>>
      %dma_wait3A_60 = arith.constant 0 : i32
      %dma_wait3A_61 = tpu.memref_slice %arg7[%run_scoped3A_25, %dma_wait3A_60] : memref<16x640xf32, #tpu.memory_space<vmem>> -> memref<1x640xf32, #tpu.memory_space<vmem>>
      %dma_wait3A_62 = tpu.memref_squeeze %dma_wait3A_61 : memref<1x640xf32, #tpu.memory_space<vmem>> -> memref<640xf32, #tpu.memory_space<vmem>>
      %dma_wait3A_63 = tpu.memref_slice %arg8[%run_scoped3A_24, %mul3A_8] : memref<16x10240xf32, #tpu.memory_space<vmem_shared>> -> memref<1x640xf32, #tpu.memory_space<vmem_shared>>
      %dma_wait3A_64 = tpu.memref_squeeze %dma_wait3A_63 : memref<1x640xf32, #tpu.memory_space<vmem_shared>> -> memref<640xf32, #tpu.memory_space<vmem_shared>>
      tpu.wait_dma2 semaphore(%run_scoped3A_46 : memref<!tpu.dma_semaphore, #tpu.memory_space<semaphore_mem>>) src(%dma_wait3A_64 : memref<640xf32, #tpu.memory_space<vmem_shared>>) dst(%dma_wait3A_62 : memref<640xf32, #tpu.memory_space<vmem>>)
      tpu.yield
    }) : () -> ()
    %run_scoped3A_26 = arith.constant 9 : i32
    %run_scoped3A_27 = arith.constant 9 : i32
    "tpu.region"() ({
      %run_scoped3A_46 = tpu.sem_alloc : memref<!tpu.dma_semaphore, #tpu.memory_space<semaphore_mem>>
      %dma_start3A = arith.constant 0 : i32
      %dma_start3A_47 = tpu.memref_slice %arg7[%run_scoped3A_27, %dma_start3A] : memref<16x640xf32, #tpu.memory_space<vmem>> -> memref<1x640xf32, #tpu.memory_space<vmem>>
      %dma_start3A_48 = tpu.memref_squeeze %dma_start3A_47 : memref<1x640xf32, #tpu.memory_space<vmem>> -> memref<640xf32, #tpu.memory_space<vmem>>
      %dma_start3A_49 = tpu.memref_slice %arg8[%run_scoped3A_26, %mul3A_8] : memref<16x10240xf32, #tpu.memory_space<vmem_shared>> -> memref<1x640xf32, #tpu.memory_space<vmem_shared>>
      %dma_start3A_50 = tpu.memref_squeeze %dma_start3A_49 : memref<1x640xf32, #tpu.memory_space<vmem_shared>> -> memref<640xf32, #tpu.memory_space<vmem_shared>>
      %dma_start3A_51 = arith.constant 0 : i32
      %dma_start3A_52 = tpu.memref_slice %arg7[%run_scoped3A_27, %dma_start3A_51] : memref<16x640xf32, #tpu.memory_space<vmem>> -> memref<1x640xf32, #tpu.memory_space<vmem>>
      %dma_start3A_53 = tpu.memref_squeeze %dma_start3A_52 : memref<1x640xf32, #tpu.memory_space<vmem>> -> memref<640xf32, #tpu.memory_space<vmem>>
      %dma_start3A_54 = tpu.memref_slice %arg8[%run_scoped3A_26, %mul3A_8] : memref<16x10240xf32, #tpu.memory_space<vmem_shared>> -> memref<1x640xf32, #tpu.memory_space<vmem_shared>>
      %dma_start3A_55 = tpu.memref_squeeze %dma_start3A_54 : memref<1x640xf32, #tpu.memory_space<vmem_shared>> -> memref<640xf32, #tpu.memory_space<vmem_shared>>
      tpu.enqueue_dma source(%dma_start3A_55 : memref<640xf32, #tpu.memory_space<vmem_shared>>) target(%dma_start3A_53 : memref<640xf32, #tpu.memory_space<vmem>>) target_semaphore(%run_scoped3A_46 : memref<!tpu.dma_semaphore, #tpu.memory_space<semaphore_mem>>)
      %dma_wait3A = arith.constant 0 : i32
      %dma_wait3A_56 = tpu.memref_slice %arg7[%run_scoped3A_27, %dma_wait3A] : memref<16x640xf32, #tpu.memory_space<vmem>> -> memref<1x640xf32, #tpu.memory_space<vmem>>
      %dma_wait3A_57 = tpu.memref_squeeze %dma_wait3A_56 : memref<1x640xf32, #tpu.memory_space<vmem>> -> memref<640xf32, #tpu.memory_space<vmem>>
      %dma_wait3A_58 = tpu.memref_slice %arg8[%run_scoped3A_26, %mul3A_8] : memref<16x10240xf32, #tpu.memory_space<vmem_shared>> -> memref<1x640xf32, #tpu.memory_space<vmem_shared>>
      %dma_wait3A_59 = tpu.memref_squeeze %dma_wait3A_58 : memref<1x640xf32, #tpu.memory_space<vmem_shared>> -> memref<640xf32, #tpu.memory_space<vmem_shared>>
      %dma_wait3A_60 = arith.constant 0 : i32
      %dma_wait3A_61 = tpu.memref_slice %arg7[%run_scoped3A_27, %dma_wait3A_60] : memref<16x640xf32, #tpu.memory_space<vmem>> -> memref<1x640xf32, #tpu.memory_space<vmem>>
      %dma_wait3A_62 = tpu.memref_squeeze %dma_wait3A_61 : memref<1x640xf32, #tpu.memory_space<vmem>> -> memref<640xf32, #tpu.memory_space<vmem>>
      %dma_wait3A_63 = tpu.memref_slice %arg8[%run_scoped3A_26, %mul3A_8] : memref<16x10240xf32, #tpu.memory_space<vmem_shared>> -> memref<1x640xf32, #tpu.memory_space<vmem_shared>>
      %dma_wait3A_64 = tpu.memref_squeeze %dma_wait3A_63 : memref<1x640xf32, #tpu.memory_space<vmem_shared>> -> memref<640xf32, #tpu.memory_space<vmem_shared>>
      tpu.wait_dma2 semaphore(%run_scoped3A_46 : memref<!tpu.dma_semaphore, #tpu.memory_space<semaphore_mem>>) src(%dma_wait3A_64 : memref<640xf32, #tpu.memory_space<vmem_shared>>) dst(%dma_wait3A_62 : memref<640xf32, #tpu.memory_space<vmem>>)
      tpu.yield
    }) : () -> ()
    %run_scoped3A_28 = arith.constant 10 : i32
    %run_scoped3A_29 = arith.constant 10 : i32
    "tpu.region"() ({
      %run_scoped3A_46 = tpu.sem_alloc : memref<!tpu.dma_semaphore, #tpu.memory_space<semaphore_mem>>
      %dma_start3A = arith.constant 0 : i32
      %dma_start3A_47 = tpu.memref_slice %arg7[%run_scoped3A_29, %dma_start3A] : memref<16x640xf32, #tpu.memory_space<vmem>> -> memref<1x640xf32, #tpu.memory_space<vmem>>
      %dma_start3A_48 = tpu.memref_squeeze %dma_start3A_47 : memref<1x640xf32, #tpu.memory_space<vmem>> -> memref<640xf32, #tpu.memory_space<vmem>>
      %dma_start3A_49 = tpu.memref_slice %arg8[%run_scoped3A_28, %mul3A_8] : memref<16x10240xf32, #tpu.memory_space<vmem_shared>> -> memref<1x640xf32, #tpu.memory_space<vmem_shared>>
      %dma_start3A_50 = tpu.memref_squeeze %dma_start3A_49 : memref<1x640xf32, #tpu.memory_space<vmem_shared>> -> memref<640xf32, #tpu.memory_space<vmem_shared>>
      %dma_start3A_51 = arith.constant 0 : i32
      %dma_start3A_52 = tpu.memref_slice %arg7[%run_scoped3A_29, %dma_start3A_51] : memref<16x640xf32, #tpu.memory_space<vmem>> -> memref<1x640xf32, #tpu.memory_space<vmem>>
      %dma_start3A_53 = tpu.memref_squeeze %dma_start3A_52 : memref<1x640xf32, #tpu.memory_space<vmem>> -> memref<640xf32, #tpu.memory_space<vmem>>
      %dma_start3A_54 = tpu.memref_slice %arg8[%run_scoped3A_28, %mul3A_8] : memref<16x10240xf32, #tpu.memory_space<vmem_shared>> -> memref<1x640xf32, #tpu.memory_space<vmem_shared>>
      %dma_start3A_55 = tpu.memref_squeeze %dma_start3A_54 : memref<1x640xf32, #tpu.memory_space<vmem_shared>> -> memref<640xf32, #tpu.memory_space<vmem_shared>>
      tpu.enqueue_dma source(%dma_start3A_55 : memref<640xf32, #tpu.memory_space<vmem_shared>>) target(%dma_start3A_53 : memref<640xf32, #tpu.memory_space<vmem>>) target_semaphore(%run_scoped3A_46 : memref<!tpu.dma_semaphore, #tpu.memory_space<semaphore_mem>>)
      %dma_wait3A = arith.constant 0 : i32
      %dma_wait3A_56 = tpu.memref_slice %arg7[%run_scoped3A_29, %dma_wait3A] : memref<16x640xf32, #tpu.memory_space<vmem>> -> memref<1x640xf32, #tpu.memory_space<vmem>>
      %dma_wait3A_57 = tpu.memref_squeeze %dma_wait3A_56 : memref<1x640xf32, #tpu.memory_space<vmem>> -> memref<640xf32, #tpu.memory_space<vmem>>
      %dma_wait3A_58 = tpu.memref_slice %arg8[%run_scoped3A_28, %mul3A_8] : memref<16x10240xf32, #tpu.memory_space<vmem_shared>> -> memref<1x640xf32, #tpu.memory_space<vmem_shared>>
      %dma_wait3A_59 = tpu.memref_squeeze %dma_wait3A_58 : memref<1x640xf32, #tpu.memory_space<vmem_shared>> -> memref<640xf32, #tpu.memory_space<vmem_shared>>
      %dma_wait3A_60 = arith.constant 0 : i32
      %dma_wait3A_61 = tpu.memref_slice %arg7[%run_scoped3A_29, %dma_wait3A_60] : memref<16x640xf32, #tpu.memory_space<vmem>> -> memref<1x640xf32, #tpu.memory_space<vmem>>
      %dma_wait3A_62 = tpu.memref_squeeze %dma_wait3A_61 : memref<1x640xf32, #tpu.memory_space<vmem>> -> memref<640xf32, #tpu.memory_space<vmem>>
      %dma_wait3A_63 = tpu.memref_slice %arg8[%run_scoped3A_28, %mul3A_8] : memref<16x10240xf32, #tpu.memory_space<vmem_shared>> -> memref<1x640xf32, #tpu.memory_space<vmem_shared>>
      %dma_wait3A_64 = tpu.memref_squeeze %dma_wait3A_63 : memref<1x640xf32, #tpu.memory_space<vmem_shared>> -> memref<640xf32, #tpu.memory_space<vmem_shared>>
      tpu.wait_dma2 semaphore(%run_scoped3A_46 : memref<!tpu.dma_semaphore, #tpu.memory_space<semaphore_mem>>) src(%dma_wait3A_64 : memref<640xf32, #tpu.memory_space<vmem_shared>>) dst(%dma_wait3A_62 : memref<640xf32, #tpu.memory_space<vmem>>)
      tpu.yield
    }) : () -> ()
    %run_scoped3A_30 = arith.constant 11 : i32
    %run_scoped3A_31 = arith.constant 11 : i32
    "tpu.region"() ({
      %run_scoped3A_46 = tpu.sem_alloc : memref<!tpu.dma_semaphore, #tpu.memory_space<semaphore_mem>>
      %dma_start3A = arith.constant 0 : i32
      %dma_start3A_47 = tpu.memref_slice %arg7[%run_scoped3A_31, %dma_start3A] : memref<16x640xf32, #tpu.memory_space<vmem>> -> memref<1x640xf32, #tpu.memory_space<vmem>>
      %dma_start3A_48 = tpu.memref_squeeze %dma_start3A_47 : memref<1x640xf32, #tpu.memory_space<vmem>> -> memref<640xf32, #tpu.memory_space<vmem>>
      %dma_start3A_49 = tpu.memref_slice %arg8[%run_scoped3A_30, %mul3A_8] : memref<16x10240xf32, #tpu.memory_space<vmem_shared>> -> memref<1x640xf32, #tpu.memory_space<vmem_shared>>
      %dma_start3A_50 = tpu.memref_squeeze %dma_start3A_49 : memref<1x640xf32, #tpu.memory_space<vmem_shared>> -> memref<640xf32, #tpu.memory_space<vmem_shared>>
      %dma_start3A_51 = arith.constant 0 : i32
      %dma_start3A_52 = tpu.memref_slice %arg7[%run_scoped3A_31, %dma_start3A_51] : memref<16x640xf32, #tpu.memory_space<vmem>> -> memref<1x640xf32, #tpu.memory_space<vmem>>
      %dma_start3A_53 = tpu.memref_squeeze %dma_start3A_52 : memref<1x640xf32, #tpu.memory_space<vmem>> -> memref<640xf32, #tpu.memory_space<vmem>>
      %dma_start3A_54 = tpu.memref_slice %arg8[%run_scoped3A_30, %mul3A_8] : memref<16x10240xf32, #tpu.memory_space<vmem_shared>> -> memref<1x640xf32, #tpu.memory_space<vmem_shared>>
      %dma_start3A_55 = tpu.memref_squeeze %dma_start3A_54 : memref<1x640xf32, #tpu.memory_space<vmem_shared>> -> memref<640xf32, #tpu.memory_space<vmem_shared>>
      tpu.enqueue_dma source(%dma_start3A_55 : memref<640xf32, #tpu.memory_space<vmem_shared>>) target(%dma_start3A_53 : memref<640xf32, #tpu.memory_space<vmem>>) target_semaphore(%run_scoped3A_46 : memref<!tpu.dma_semaphore, #tpu.memory_space<semaphore_mem>>)
      %dma_wait3A = arith.constant 0 : i32
      %dma_wait3A_56 = tpu.memref_slice %arg7[%run_scoped3A_31, %dma_wait3A] : memref<16x640xf32, #tpu.memory_space<vmem>> -> memref<1x640xf32, #tpu.memory_space<vmem>>
      %dma_wait3A_57 = tpu.memref_squeeze %dma_wait3A_56 : memref<1x640xf32, #tpu.memory_space<vmem>> -> memref<640xf32, #tpu.memory_space<vmem>>
      %dma_wait3A_58 = tpu.memref_slice %arg8[%run_scoped3A_30, %mul3A_8] : memref<16x10240xf32, #tpu.memory_space<vmem_shared>> -> memref<1x640xf32, #tpu.memory_space<vmem_shared>>
      %dma_wait3A_59 = tpu.memref_squeeze %dma_wait3A_58 : memref<1x640xf32, #tpu.memory_space<vmem_shared>> -> memref<640xf32, #tpu.memory_space<vmem_shared>>
      %dma_wait3A_60 = arith.constant 0 : i32
      %dma_wait3A_61 = tpu.memref_slice %arg7[%run_scoped3A_31, %dma_wait3A_60] : memref<16x640xf32, #tpu.memory_space<vmem>> -> memref<1x640xf32, #tpu.memory_space<vmem>>
      %dma_wait3A_62 = tpu.memref_squeeze %dma_wait3A_61 : memref<1x640xf32, #tpu.memory_space<vmem>> -> memref<640xf32, #tpu.memory_space<vmem>>
      %dma_wait3A_63 = tpu.memref_slice %arg8[%run_scoped3A_30, %mul3A_8] : memref<16x10240xf32, #tpu.memory_space<vmem_shared>> -> memref<1x640xf32, #tpu.memory_space<vmem_shared>>
      %dma_wait3A_64 = tpu.memref_squeeze %dma_wait3A_63 : memref<1x640xf32, #tpu.memory_space<vmem_shared>> -> memref<640xf32, #tpu.memory_space<vmem_shared>>
      tpu.wait_dma2 semaphore(%run_scoped3A_46 : memref<!tpu.dma_semaphore, #tpu.memory_space<semaphore_mem>>) src(%dma_wait3A_64 : memref<640xf32, #tpu.memory_space<vmem_shared>>) dst(%dma_wait3A_62 : memref<640xf32, #tpu.memory_space<vmem>>)
      tpu.yield
    }) : () -> ()
    %run_scoped3A_32 = arith.constant 12 : i32
    %run_scoped3A_33 = arith.constant 12 : i32
    "tpu.region"() ({
      %run_scoped3A_46 = tpu.sem_alloc : memref<!tpu.dma_semaphore, #tpu.memory_space<semaphore_mem>>
      %dma_start3A = arith.constant 0 : i32
      %dma_start3A_47 = tpu.memref_slice %arg7[%run_scoped3A_33, %dma_start3A] : memref<16x640xf32, #tpu.memory_space<vmem>> -> memref<1x640xf32, #tpu.memory_space<vmem>>
      %dma_start3A_48 = tpu.memref_squeeze %dma_start3A_47 : memref<1x640xf32, #tpu.memory_space<vmem>> -> memref<640xf32, #tpu.memory_space<vmem>>
      %dma_start3A_49 = tpu.memref_slice %arg8[%run_scoped3A_32, %mul3A_8] : memref<16x10240xf32, #tpu.memory_space<vmem_shared>> -> memref<1x640xf32, #tpu.memory_space<vmem_shared>>
      %dma_start3A_50 = tpu.memref_squeeze %dma_start3A_49 : memref<1x640xf32, #tpu.memory_space<vmem_shared>> -> memref<640xf32, #tpu.memory_space<vmem_shared>>
      %dma_start3A_51 = arith.constant 0 : i32
      %dma_start3A_52 = tpu.memref_slice %arg7[%run_scoped3A_33, %dma_start3A_51] : memref<16x640xf32, #tpu.memory_space<vmem>> -> memref<1x640xf32, #tpu.memory_space<vmem>>
      %dma_start3A_53 = tpu.memref_squeeze %dma_start3A_52 : memref<1x640xf32, #tpu.memory_space<vmem>> -> memref<640xf32, #tpu.memory_space<vmem>>
      %dma_start3A_54 = tpu.memref_slice %arg8[%run_scoped3A_32, %mul3A_8] : memref<16x10240xf32, #tpu.memory_space<vmem_shared>> -> memref<1x640xf32, #tpu.memory_space<vmem_shared>>
      %dma_start3A_55 = tpu.memref_squeeze %dma_start3A_54 : memref<1x640xf32, #tpu.memory_space<vmem_shared>> -> memref<640xf32, #tpu.memory_space<vmem_shared>>
      tpu.enqueue_dma source(%dma_start3A_55 : memref<640xf32, #tpu.memory_space<vmem_shared>>) target(%dma_start3A_53 : memref<640xf32, #tpu.memory_space<vmem>>) target_semaphore(%run_scoped3A_46 : memref<!tpu.dma_semaphore, #tpu.memory_space<semaphore_mem>>)
      %dma_wait3A = arith.constant 0 : i32
      %dma_wait3A_56 = tpu.memref_slice %arg7[%run_scoped3A_33, %dma_wait3A] : memref<16x640xf32, #tpu.memory_space<vmem>> -> memref<1x640xf32, #tpu.memory_space<vmem>>
      %dma_wait3A_57 = tpu.memref_squeeze %dma_wait3A_56 : memref<1x640xf32, #tpu.memory_space<vmem>> -> memref<640xf32, #tpu.memory_space<vmem>>
      %dma_wait3A_58 = tpu.memref_slice %arg8[%run_scoped3A_32, %mul3A_8] : memref<16x10240xf32, #tpu.memory_space<vmem_shared>> -> memref<1x640xf32, #tpu.memory_space<vmem_shared>>
      %dma_wait3A_59 = tpu.memref_squeeze %dma_wait3A_58 : memref<1x640xf32, #tpu.memory_space<vmem_shared>> -> memref<640xf32, #tpu.memory_space<vmem_shared>>
      %dma_wait3A_60 = arith.constant 0 : i32
      %dma_wait3A_61 = tpu.memref_slice %arg7[%run_scoped3A_33, %dma_wait3A_60] : memref<16x640xf32, #tpu.memory_space<vmem>> -> memref<1x640xf32, #tpu.memory_space<vmem>>
      %dma_wait3A_62 = tpu.memref_squeeze %dma_wait3A_61 : memref<1x640xf32, #tpu.memory_space<vmem>> -> memref<640xf32, #tpu.memory_space<vmem>>
      %dma_wait3A_63 = tpu.memref_slice %arg8[%run_scoped3A_32, %mul3A_8] : memref<16x10240xf32, #tpu.memory_space<vmem_shared>> -> memref<1x640xf32, #tpu.memory_space<vmem_shared>>
      %dma_wait3A_64 = tpu.memref_squeeze %dma_wait3A_63 : memref<1x640xf32, #tpu.memory_space<vmem_shared>> -> memref<640xf32, #tpu.memory_space<vmem_shared>>
      tpu.wait_dma2 semaphore(%run_scoped3A_46 : memref<!tpu.dma_semaphore, #tpu.memory_space<semaphore_mem>>) src(%dma_wait3A_64 : memref<640xf32, #tpu.memory_space<vmem_shared>>) dst(%dma_wait3A_62 : memref<640xf32, #tpu.memory_space<vmem>>)
      tpu.yield
    }) : () -> ()
    %run_scoped3A_34 = arith.constant 13 : i32
    %run_scoped3A_35 = arith.constant 13 : i32
    "tpu.region"() ({
      %run_scoped3A_46 = tpu.sem_alloc : memref<!tpu.dma_semaphore, #tpu.memory_space<semaphore_mem>>
      %dma_start3A = arith.constant 0 : i32
      %dma_start3A_47 = tpu.memref_slice %arg7[%run_scoped3A_35, %dma_start3A] : memref<16x640xf32, #tpu.memory_space<vmem>> -> memref<1x640xf32, #tpu.memory_space<vmem>>
      %dma_start3A_48 = tpu.memref_squeeze %dma_start3A_47 : memref<1x640xf32, #tpu.memory_space<vmem>> -> memref<640xf32, #tpu.memory_space<vmem>>
      %dma_start3A_49 = tpu.memref_slice %arg8[%run_scoped3A_34, %mul3A_8] : memref<16x10240xf32, #tpu.memory_space<vmem_shared>> -> memref<1x640xf32, #tpu.memory_space<vmem_shared>>
      %dma_start3A_50 = tpu.memref_squeeze %dma_start3A_49 : memref<1x640xf32, #tpu.memory_space<vmem_shared>> -> memref<640xf32, #tpu.memory_space<vmem_shared>>
      %dma_start3A_51 = arith.constant 0 : i32
      %dma_start3A_52 = tpu.memref_slice %arg7[%run_scoped3A_35, %dma_start3A_51] : memref<16x640xf32, #tpu.memory_space<vmem>> -> memref<1x640xf32, #tpu.memory_space<vmem>>
      %dma_start3A_53 = tpu.memref_squeeze %dma_start3A_52 : memref<1x640xf32, #tpu.memory_space<vmem>> -> memref<640xf32, #tpu.memory_space<vmem>>
      %dma_start3A_54 = tpu.memref_slice %arg8[%run_scoped3A_34, %mul3A_8] : memref<16x10240xf32, #tpu.memory_space<vmem_shared>> -> memref<1x640xf32, #tpu.memory_space<vmem_shared>>
      %dma_start3A_55 = tpu.memref_squeeze %dma_start3A_54 : memref<1x640xf32, #tpu.memory_space<vmem_shared>> -> memref<640xf32, #tpu.memory_space<vmem_shared>>
      tpu.enqueue_dma source(%dma_start3A_55 : memref<640xf32, #tpu.memory_space<vmem_shared>>) target(%dma_start3A_53 : memref<640xf32, #tpu.memory_space<vmem>>) target_semaphore(%run_scoped3A_46 : memref<!tpu.dma_semaphore, #tpu.memory_space<semaphore_mem>>)
      %dma_wait3A = arith.constant 0 : i32
      %dma_wait3A_56 = tpu.memref_slice %arg7[%run_scoped3A_35, %dma_wait3A] : memref<16x640xf32, #tpu.memory_space<vmem>> -> memref<1x640xf32, #tpu.memory_space<vmem>>
      %dma_wait3A_57 = tpu.memref_squeeze %dma_wait3A_56 : memref<1x640xf32, #tpu.memory_space<vmem>> -> memref<640xf32, #tpu.memory_space<vmem>>
      %dma_wait3A_58 = tpu.memref_slice %arg8[%run_scoped3A_34, %mul3A_8] : memref<16x10240xf32, #tpu.memory_space<vmem_shared>> -> memref<1x640xf32, #tpu.memory_space<vmem_shared>>
      %dma_wait3A_59 = tpu.memref_squeeze %dma_wait3A_58 : memref<1x640xf32, #tpu.memory_space<vmem_shared>> -> memref<640xf32, #tpu.memory_space<vmem_shared>>
      %dma_wait3A_60 = arith.constant 0 : i32
      %dma_wait3A_61 = tpu.memref_slice %arg7[%run_scoped3A_35, %dma_wait3A_60] : memref<16x640xf32, #tpu.memory_space<vmem>> -> memref<1x640xf32, #tpu.memory_space<vmem>>
      %dma_wait3A_62 = tpu.memref_squeeze %dma_wait3A_61 : memref<1x640xf32, #tpu.memory_space<vmem>> -> memref<640xf32, #tpu.memory_space<vmem>>
      %dma_wait3A_63 = tpu.memref_slice %arg8[%run_scoped3A_34, %mul3A_8] : memref<16x10240xf32, #tpu.memory_space<vmem_shared>> -> memref<1x640xf32, #tpu.memory_space<vmem_shared>>
      %dma_wait3A_64 = tpu.memref_squeeze %dma_wait3A_63 : memref<1x640xf32, #tpu.memory_space<vmem_shared>> -> memref<640xf32, #tpu.memory_space<vmem_shared>>
      tpu.wait_dma2 semaphore(%run_scoped3A_46 : memref<!tpu.dma_semaphore, #tpu.memory_space<semaphore_mem>>) src(%dma_wait3A_64 : memref<640xf32, #tpu.memory_space<vmem_shared>>) dst(%dma_wait3A_62 : memref<640xf32, #tpu.memory_space<vmem>>)
      tpu.yield
    }) : () -> ()
    %run_scoped3A_36 = arith.constant 14 : i32
    %run_scoped3A_37 = arith.constant 14 : i32
    "tpu.region"() ({
      %run_scoped3A_46 = tpu.sem_alloc : memref<!tpu.dma_semaphore, #tpu.memory_space<semaphore_mem>>
      %dma_start3A = arith.constant 0 : i32
      %dma_start3A_47 = tpu.memref_slice %arg7[%run_scoped3A_37, %dma_start3A] : memref<16x640xf32, #tpu.memory_space<vmem>> -> memref<1x640xf32, #tpu.memory_space<vmem>>
      %dma_start3A_48 = tpu.memref_squeeze %dma_start3A_47 : memref<1x640xf32, #tpu.memory_space<vmem>> -> memref<640xf32, #tpu.memory_space<vmem>>
      %dma_start3A_49 = tpu.memref_slice %arg8[%run_scoped3A_36, %mul3A_8] : memref<16x10240xf32, #tpu.memory_space<vmem_shared>> -> memref<1x640xf32, #tpu.memory_space<vmem_shared>>
      %dma_start3A_50 = tpu.memref_squeeze %dma_start3A_49 : memref<1x640xf32, #tpu.memory_space<vmem_shared>> -> memref<640xf32, #tpu.memory_space<vmem_shared>>
      %dma_start3A_51 = arith.constant 0 : i32
      %dma_start3A_52 = tpu.memref_slice %arg7[%run_scoped3A_37, %dma_start3A_51] : memref<16x640xf32, #tpu.memory_space<vmem>> -> memref<1x640xf32, #tpu.memory_space<vmem>>
      %dma_start3A_53 = tpu.memref_squeeze %dma_start3A_52 : memref<1x640xf32, #tpu.memory_space<vmem>> -> memref<640xf32, #tpu.memory_space<vmem>>
      %dma_start3A_54 = tpu.memref_slice %arg8[%run_scoped3A_36, %mul3A_8] : memref<16x10240xf32, #tpu.memory_space<vmem_shared>> -> memref<1x640xf32, #tpu.memory_space<vmem_shared>>
      %dma_start3A_55 = tpu.memref_squeeze %dma_start3A_54 : memref<1x640xf32, #tpu.memory_space<vmem_shared>> -> memref<640xf32, #tpu.memory_space<vmem_shared>>
      tpu.enqueue_dma source(%dma_start3A_55 : memref<640xf32, #tpu.memory_space<vmem_shared>>) target(%dma_start3A_53 : memref<640xf32, #tpu.memory_space<vmem>>) target_semaphore(%run_scoped3A_46 : memref<!tpu.dma_semaphore, #tpu.memory_space<semaphore_mem>>)
      %dma_wait3A = arith.constant 0 : i32
      %dma_wait3A_56 = tpu.memref_slice %arg7[%run_scoped3A_37, %dma_wait3A] : memref<16x640xf32, #tpu.memory_space<vmem>> -> memref<1x640xf32, #tpu.memory_space<vmem>>
      %dma_wait3A_57 = tpu.memref_squeeze %dma_wait3A_56 : memref<1x640xf32, #tpu.memory_space<vmem>> -> memref<640xf32, #tpu.memory_space<vmem>>
      %dma_wait3A_58 = tpu.memref_slice %arg8[%run_scoped3A_36, %mul3A_8] : memref<16x10240xf32, #tpu.memory_space<vmem_shared>> -> memref<1x640xf32, #tpu.memory_space<vmem_shared>>
      %dma_wait3A_59 = tpu.memref_squeeze %dma_wait3A_58 : memref<1x640xf32, #tpu.memory_space<vmem_shared>> -> memref<640xf32, #tpu.memory_space<vmem_shared>>
      %dma_wait3A_60 = arith.constant 0 : i32
      %dma_wait3A_61 = tpu.memref_slice %arg7[%run_scoped3A_37, %dma_wait3A_60] : memref<16x640xf32, #tpu.memory_space<vmem>> -> memref<1x640xf32, #tpu.memory_space<vmem>>
      %dma_wait3A_62 = tpu.memref_squeeze %dma_wait3A_61 : memref<1x640xf32, #tpu.memory_space<vmem>> -> memref<640xf32, #tpu.memory_space<vmem>>
      %dma_wait3A_63 = tpu.memref_slice %arg8[%run_scoped3A_36, %mul3A_8] : memref<16x10240xf32, #tpu.memory_space<vmem_shared>> -> memref<1x640xf32, #tpu.memory_space<vmem_shared>>
      %dma_wait3A_64 = tpu.memref_squeeze %dma_wait3A_63 : memref<1x640xf32, #tpu.memory_space<vmem_shared>> -> memref<640xf32, #tpu.memory_space<vmem_shared>>
      tpu.wait_dma2 semaphore(%run_scoped3A_46 : memref<!tpu.dma_semaphore, #tpu.memory_space<semaphore_mem>>) src(%dma_wait3A_64 : memref<640xf32, #tpu.memory_space<vmem_shared>>) dst(%dma_wait3A_62 : memref<640xf32, #tpu.memory_space<vmem>>)
      tpu.yield
    }) : () -> ()
    %run_scoped3A_38 = arith.constant 15 : i32
    %run_scoped3A_39 = arith.constant 15 : i32
    "tpu.region"() ({
      %run_scoped3A_46 = tpu.sem_alloc : memref<!tpu.dma_semaphore, #tpu.memory_space<semaphore_mem>>
      %dma_start3A = arith.constant 0 : i32
      %dma_start3A_47 = tpu.memref_slice %arg7[%run_scoped3A_39, %dma_start3A] : memref<16x640xf32, #tpu.memory_space<vmem>> -> memref<1x640xf32, #tpu.memory_space<vmem>>
      %dma_start3A_48 = tpu.memref_squeeze %dma_start3A_47 : memref<1x640xf32, #tpu.memory_space<vmem>> -> memref<640xf32, #tpu.memory_space<vmem>>
      %dma_start3A_49 = tpu.memref_slice %arg8[%run_scoped3A_38, %mul3A_8] : memref<16x10240xf32, #tpu.memory_space<vmem_shared>> -> memref<1x640xf32, #tpu.memory_space<vmem_shared>>
      %dma_start3A_50 = tpu.memref_squeeze %dma_start3A_49 : memref<1x640xf32, #tpu.memory_space<vmem_shared>> -> memref<640xf32, #tpu.memory_space<vmem_shared>>
      %dma_start3A_51 = arith.constant 0 : i32
      %dma_start3A_52 = tpu.memref_slice %arg7[%run_scoped3A_39, %dma_start3A_51] : memref<16x640xf32, #tpu.memory_space<vmem>> -> memref<1x640xf32, #tpu.memory_space<vmem>>
      %dma_start3A_53 = tpu.memref_squeeze %dma_start3A_52 : memref<1x640xf32, #tpu.memory_space<vmem>> -> memref<640xf32, #tpu.memory_space<vmem>>
      %dma_start3A_54 = tpu.memref_slice %arg8[%run_scoped3A_38, %mul3A_8] : memref<16x10240xf32, #tpu.memory_space<vmem_shared>> -> memref<1x640xf32, #tpu.memory_space<vmem_shared>>
      %dma_start3A_55 = tpu.memref_squeeze %dma_start3A_54 : memref<1x640xf32, #tpu.memory_space<vmem_shared>> -> memref<640xf32, #tpu.memory_space<vmem_shared>>
      tpu.enqueue_dma source(%dma_start3A_55 : memref<640xf32, #tpu.memory_space<vmem_shared>>) target(%dma_start3A_53 : memref<640xf32, #tpu.memory_space<vmem>>) target_semaphore(%run_scoped3A_46 : memref<!tpu.dma_semaphore, #tpu.memory_space<semaphore_mem>>)
      %dma_wait3A = arith.constant 0 : i32
      %dma_wait3A_56 = tpu.memref_slice %arg7[%run_scoped3A_39, %dma_wait3A] : memref<16x640xf32, #tpu.memory_space<vmem>> -> memref<1x640xf32, #tpu.memory_space<vmem>>
      %dma_wait3A_57 = tpu.memref_squeeze %dma_wait3A_56 : memref<1x640xf32, #tpu.memory_space<vmem>> -> memref<640xf32, #tpu.memory_space<vmem>>
      %dma_wait3A_58 = tpu.memref_slice %arg8[%run_scoped3A_38, %mul3A_8] : memref<16x10240xf32, #tpu.memory_space<vmem_shared>> -> memref<1x640xf32, #tpu.memory_space<vmem_shared>>
      %dma_wait3A_59 = tpu.memref_squeeze %dma_wait3A_58 : memref<1x640xf32, #tpu.memory_space<vmem_shared>> -> memref<640xf32, #tpu.memory_space<vmem_shared>>
      %dma_wait3A_60 = arith.constant 0 : i32
      %dma_wait3A_61 = tpu.memref_slice %arg7[%run_scoped3A_39, %dma_wait3A_60] : memref<16x640xf32, #tpu.memory_space<vmem>> -> memref<1x640xf32, #tpu.memory_space<vmem>>
      %dma_wait3A_62 = tpu.memref_squeeze %dma_wait3A_61 : memref<1x640xf32, #tpu.memory_space<vmem>> -> memref<640xf32, #tpu.memory_space<vmem>>
      %dma_wait3A_63 = tpu.memref_slice %arg8[%run_scoped3A_38, %mul3A_8] : memref<16x10240xf32, #tpu.memory_space<vmem_shared>> -> memref<1x640xf32, #tpu.memory_space<vmem_shared>>
      %dma_wait3A_64 = tpu.memref_squeeze %dma_wait3A_63 : memref<1x640xf32, #tpu.memory_space<vmem_shared>> -> memref<640xf32, #tpu.memory_space<vmem_shared>>
      tpu.wait_dma2 semaphore(%run_scoped3A_46 : memref<!tpu.dma_semaphore, #tpu.memory_space<semaphore_mem>>) src(%dma_wait3A_64 : memref<640xf32, #tpu.memory_space<vmem_shared>>) dst(%dma_wait3A_62 : memref<640xf32, #tpu.memory_space<vmem>>)
      tpu.yield
    }) : () -> ()
    %scan3A_40 = arith.constant 0 : i32
    %scan3A_41 = arith.constant 0 : i32
    %scan3A_42 = arith.constant 40 : i32
    %scan3A_43 = arith.addi %scan3A_41, %scan3A_42 : i32
    %scan3A_44 = arith.constant 1 : i32
    scf.for %scan3A_46 = %scan3A_41 to %scan3A_43 step %scan3A_44  : i32 {
      %mul3A_47 = arith.constant 16 : i32
      %mul3A_48 = arith.muli %scan3A_46, %mul3A_47 : i32
      %get3A = arith.constant 0 : i32
      %get3A_49 = arith.index_cast %get3A : i32 to index
      %get3A_50 = arith.index_cast %mul3A_48 : i32 to index
      %get3A_51 = tpu.vector_load %arg7[%get3A_49, %get3A_50] {strides = array<i32>} : memref<16x640xf32, #tpu.memory_space<vmem>>, vector<16xf32>,
      %mul3A_52 = arith.constant 16 : i32
      %mul3A_53 = arith.muli %scan3A_46, %mul3A_52 : i32
      %get3A_54 = arith.constant 1 : i32
      %get3A_55 = arith.index_cast %get3A_54 : i32 to index
      %get3A_56 = arith.index_cast %mul3A_53 : i32 to index
      %get3A_57 = tpu.vector_load %arg7[%get3A_55, %get3A_56] {strides = array<i32>} : memref<16x640xf32, #tpu.memory_space<vmem>>, vector<16xf32>,
      %add3A_58 = arith.addf %get3A_51, %get3A_57 : vector<16xf32>
      %mul3A_59 = arith.constant 16 : i32
      %mul3A_60 = arith.muli %scan3A_46, %mul3A_59 : i32
      %get3A_61 = arith.constant 2 : i32
      %get3A_62 = arith.index_cast %get3A_61 : i32 to index
      %get3A_63 = arith.index_cast %mul3A_60 : i32 to index
      %get3A_64 = tpu.vector_load %arg7[%get3A_62, %get3A_63] {strides = array<i32>} : memref<16x640xf32, #tpu.memory_space<vmem>>, vector<16xf32>,
      %add3A_65 = arith.addf %add3A_58, %get3A_64 : vector<16xf32>
      %mul3A_66 = arith.constant 16 : i32
      %mul3A_67 = arith.muli %scan3A_46, %mul3A_66 : i32
      %get3A_68 = arith.constant 3 : i32
      %get3A_69 = arith.index_cast %get3A_68 : i32 to index
      %get3A_70 = arith.index_cast %mul3A_67 : i32 to index
      %get3A_71 = tpu.vector_load %arg7[%get3A_69, %get3A_70] {strides = array<i32>} : memref<16x640xf32, #tpu.memory_space<vmem>>, vector<16xf32>,
      %add3A_72 = arith.addf %add3A_65, %get3A_71 : vector<16xf32>
      %mul3A_73 = arith.constant 16 : i32
      %mul3A_74 = arith.muli %scan3A_46, %mul3A_73 : i32
      %get3A_75 = arith.constant 4 : i32
      %get3A_76 = arith.index_cast %get3A_75 : i32 to index
      %get3A_77 = arith.index_cast %mul3A_74 : i32 to index
      %get3A_78 = tpu.vector_load %arg7[%get3A_76, %get3A_77] {strides = array<i32>} : memref<16x640xf32, #tpu.memory_space<vmem>>, vector<16xf32>,
      %add3A_79 = arith.addf %add3A_72, %get3A_78 : vector<16xf32>
      %mul3A_80 = arith.constant 16 : i32
      %mul3A_81 = arith.muli %scan3A_46, %mul3A_80 : i32
      %get3A_82 = arith.constant 5 : i32
      %get3A_83 = arith.index_cast %get3A_82 : i32 to index
      %get3A_84 = arith.index_cast %mul3A_81 : i32 to index
      %get3A_85 = tpu.vector_load %arg7[%get3A_83, %get3A_84] {strides = array<i32>} : memref<16x640xf32, #tpu.memory_space<vmem>>, vector<16xf32>,
      %add3A_86 = arith.addf %add3A_79, %get3A_85 : vector<16xf32>
      %mul3A_87 = arith.constant 16 : i32
      %mul3A_88 = arith.muli %scan3A_46, %mul3A_87 : i32
      %get3A_89 = arith.constant 6 : i32
      %get3A_90 = arith.index_cast %get3A_89 : i32 to index
      %get3A_91 = arith.index_cast %mul3A_88 : i32 to index
      %get3A_92 = tpu.vector_load %arg7[%get3A_90, %get3A_91] {strides = array<i32>} : memref<16x640xf32, #tpu.memory_space<vmem>>, vector<16xf32>,
      %add3A_93 = arith.addf %add3A_86, %get3A_92 : vector<16xf32>
      %mul3A_94 = arith.constant 16 : i32
      %mul3A_95 = arith.muli %scan3A_46, %mul3A_94 : i32
      %get3A_96 = arith.constant 7 : i32
      %get3A_97 = arith.index_cast %get3A_96 : i32 to index
      %get3A_98 = arith.index_cast %mul3A_95 : i32 to index
      %get3A_99 = tpu.vector_load %arg7[%get3A_97, %get3A_98] {strides = array<i32>} : memref<16x640xf32, #tpu.memory_space<vmem>>, vector<16xf32>,
      %add3A_100 = arith.addf %add3A_93, %get3A_99 : vector<16xf32>
      %mul3A_101 = arith.constant 16 : i32
      %mul3A_102 = arith.muli %scan3A_46, %mul3A_101 : i32
      %get3A_103 = arith.constant 8 : i32
      %get3A_104 = arith.index_cast %get3A_103 : i32 to index
      %get3A_105 = arith.index_cast %mul3A_102 : i32 to index
      %get3A_106 = tpu.vector_load %arg7[%get3A_104, %get3A_105] {strides = array<i32>} : memref<16x640xf32, #tpu.memory_space<vmem>>, vector<16xf32>,
      %add3A_107 = arith.addf %add3A_100, %get3A_106 : vector<16xf32>
      %mul3A_108 = arith.constant 16 : i32
      %mul3A_109 = arith.muli %scan3A_46, %mul3A_108 : i32
      %get3A_110 = arith.constant 9 : i32
      %get3A_111 = arith.index_cast %get3A_110 : i32 to index
      %get3A_112 = arith.index_cast %mul3A_109 : i32 to index
      %get3A_113 = tpu.vector_load %arg7[%get3A_111, %get3A_112] {strides = array<i32>} : memref<16x640xf32, #tpu.memory_space<vmem>>, vector<16xf32>,
      %add3A_114 = arith.addf %add3A_107, %get3A_113 : vector<16xf32>
      %mul3A_115 = arith.constant 16 : i32
      %mul3A_116 = arith.muli %scan3A_46, %mul3A_115 : i32
      %get3A_117 = arith.constant 10 : i32
      %get3A_118 = arith.index_cast %get3A_117 : i32 to index
      %get3A_119 = arith.index_cast %mul3A_116 : i32 to index
      %get3A_120 = tpu.vector_load %arg7[%get3A_118, %get3A_119] {strides = array<i32>} : memref<16x640xf32, #tpu.memory_space<vmem>>, vector<16xf32>,
      %add3A_121 = arith.addf %add3A_114, %get3A_120 : vector<16xf32>
      %mul3A_122 = arith.constant 16 : i32
      %mul3A_123 = arith.muli %scan3A_46, %mul3A_122 : i32
      %get3A_124 = arith.constant 11 : i32
      %get3A_125 = arith.index_cast %get3A_124 : i32 to index
      %get3A_126 = arith.index_cast %mul3A_123 : i32 to index
      %get3A_127 = tpu.vector_load %arg7[%get3A_125, %get3A_126] {strides = array<i32>} : memref<16x640xf32, #tpu.memory_space<vmem>>, vector<16xf32>,
      %add3A_128 = arith.addf %add3A_121, %get3A_127 : vector<16xf32>
      %mul3A_129 = arith.constant 16 : i32
      %mul3A_130 = arith.muli %scan3A_46, %mul3A_129 : i32
      %get3A_131 = arith.constant 12 : i32
      %get3A_132 = arith.index_cast %get3A_131 : i32 to index
      %get3A_133 = arith.index_cast %mul3A_130 : i32 to index
      %get3A_134 = tpu.vector_load %arg7[%get3A_132, %get3A_133] {strides = array<i32>} : memref<16x640xf32, #tpu.memory_space<vmem>>, vector<16xf32>,
      %add3A_135 = arith.addf %add3A_128, %get3A_134 : vector<16xf32>
      %mul3A_136 = arith.constant 16 : i32
      %mul3A_137 = arith.muli %scan3A_46, %mul3A_136 : i32
      %get3A_138 = arith.constant 13 : i32
      %get3A_139 = arith.index_cast %get3A_138 : i32 to index
      %get3A_140 = arith.index_cast %mul3A_137 : i32 to index
      %get3A_141 = tpu.vector_load %arg7[%get3A_139, %get3A_140] {strides = array<i32>} : memref<16x640xf32, #tpu.memory_space<vmem>>, vector<16xf32>,
      %add3A_142 = arith.addf %add3A_135, %get3A_141 : vector<16xf32>
      %mul3A_143 = arith.constant 16 : i32
      %mul3A_144 = arith.muli %scan3A_46, %mul3A_143 : i32
      %get3A_145 = arith.constant 14 : i32
      %get3A_146 = arith.index_cast %get3A_145 : i32 to index
      %get3A_147 = arith.index_cast %mul3A_144 : i32 to index
      %get3A_148 = tpu.vector_load %arg7[%get3A_146, %get3A_147] {strides = array<i32>} : memref<16x640xf32, #tpu.memory_space<vmem>>, vector<16xf32>,
      %add3A_149 = arith.addf %add3A_142, %get3A_148 : vector<16xf32>
      %mul3A_150 = arith.constant 16 : i32
      %mul3A_151 = arith.muli %scan3A_46, %mul3A_150 : i32
      %get3A_152 = arith.constant 15 : i32
      %get3A_153 = arith.index_cast %get3A_152 : i32 to index
      %get3A_154 = arith.index_cast %mul3A_151 : i32 to index
      %get3A_155 = tpu.vector_load %arg7[%get3A_153, %get3A_154] {strides = array<i32>} : memref<16x640xf32, #tpu.memory_space<vmem>>, vector<16xf32>,
      %add3A_156 = arith.addf %add3A_149, %get3A_155 : vector<16xf32>
      %mul3A_157 = arith.constant 16 : i32
      %mul3A_158 = arith.muli %scan3A_46, %mul3A_157 : i32
      %swap3A = arith.index_cast %mul3A_158 : i32 to index
      %swap3A_159 = tpu.vector_load %arg6[%swap3A] {strides = array<i32>} : memref<10240xf32, #tpu.memory_space<vmem>>, vector<16xf32>,
      tpu.vector_store %arg6[%swap3A], %add3A_156 {strides = array<i32>} : memref<10240xf32, #tpu.memory_space<vmem>>, vector<16xf32>,
    }
    %scan3A_45 = arith.constant 40 : i32
    "tpu.region"() ({
      %run_scoped3A_46 = tpu.sem_alloc : memref<!tpu.dma_semaphore, #tpu.memory_space<semaphore_mem>>
      %dma_start3A = arith.constant 0 : i32
      %dma_start3A_47 = tpu.memref_slice %arg6[%dma_start3A] : memref<10240xf32, #tpu.memory_space<vmem>> -> memref<640xf32, #tpu.memory_space<vmem>>
      %dma_start3A_48 = tpu.memref_slice %arg4[%arg0, %mul3A_8] : memref<2x10240xf32, #tpu.memory_space<hbm>> -> memref<1x640xf32, #tpu.memory_space<hbm>>
      %dma_start3A_49 = tpu.memref_squeeze %dma_start3A_48 : memref<1x640xf32, #tpu.memory_space<hbm>> -> memref<640xf32, #tpu.memory_space<hbm>>
      %dma_start3A_50 = tpu.memref_slice %arg4[%arg0, %mul3A_8] : memref<2x10240xf32, #tpu.memory_space<hbm>> -> memref<1x640xf32, #tpu.memory_space<hbm>>
      %dma_start3A_51 = tpu.memref_squeeze %dma_start3A_50 : memref<1x640xf32, #tpu.memory_space<hbm>> -> memref<640xf32, #tpu.memory_space<hbm>>
      %dma_start3A_52 = arith.constant 0 : i32
      %dma_start3A_53 = tpu.memref_slice %arg6[%dma_start3A_52] : memref<10240xf32, #tpu.memory_space<vmem>> -> memref<640xf32, #tpu.memory_space<vmem>>
      tpu.enqueue_dma source(%dma_start3A_53 : memref<640xf32, #tpu.memory_space<vmem>>) target(%dma_start3A_51 : memref<640xf32, #tpu.memory_space<hbm>>) target_semaphore(%run_scoped3A_46 : memref<!tpu.dma_semaphore, #tpu.memory_space<semaphore_mem>>)
      %dma_wait3A = arith.constant 0 : i32
      %dma_wait3A_54 = tpu.memref_slice %arg6[%dma_wait3A] : memref<10240xf32, #tpu.memory_space<vmem>> -> memref<640xf32, #tpu.memory_space<vmem>>
      %dma_wait3A_55 = tpu.memref_slice %arg4[%arg0, %mul3A_8] : memref<2x10240xf32, #tpu.memory_space<hbm>> -> memref<1x640xf32, #tpu.memory_space<hbm>>
      %dma_wait3A_56 = tpu.memref_squeeze %dma_wait3A_55 : memref<1x640xf32, #tpu.memory_space<hbm>> -> memref<640xf32, #tpu.memory_space<hbm>>
      %dma_wait3A_57 = tpu.memref_slice %arg4[%arg0, %mul3A_8] : memref<2x10240xf32, #tpu.memory_space<hbm>> -> memref<1x640xf32, #tpu.memory_space<hbm>>
      %dma_wait3A_58 = tpu.memref_squeeze %dma_wait3A_57 : memref<1x640xf32, #tpu.memory_space<hbm>> -> memref<640xf32, #tpu.memory_space<hbm>>
      %dma_wait3A_59 = arith.constant 0 : i32
      %dma_wait3A_60 = tpu.memref_slice %arg6[%dma_wait3A_59] : memref<10240xf32, #tpu.memory_space<vmem>> -> memref<640xf32, #tpu.memory_space<vmem>>
      tpu.wait_dma2 semaphore(%run_scoped3A_46 : memref<!tpu.dma_semaphore, #tpu.memory_space<semaphore_mem>>) src(%dma_wait3A_60 : memref<640xf32, #tpu.memory_space<vmem>>) dst(%dma_wait3A_58 : memref<640xf32, #tpu.memory_space<hbm>>)
      tpu.yield
    }) : () -> ()
    return
  }
}

module attributes {stable_mosaic.version = 14 : i64} {
  func.func @_linear_body(%arg0: memref<10000x128xf32, #tpu.memory_space<vmem>>, %arg1: memref<128x128xf32, #tpu.memory_space<vmem>>, %arg2: memref<1x128xf32, #tpu.memory_space<vmem>>, %arg3: memref<2x10240x1xf32, #tpu.memory_space<vmem>>, %arg4: memref<10000x128xf32, #tpu.memory_space<vmem>>) attributes {dimension_semantics = [], scalar_prefetch = 0 : i64, scratch_operands = 0 : i64, tpu.core_type = #tpu.core_type<tc>} {
    %get3A = arith.constant 0 : index
    %get3A_0 = arith.constant 0 : index
    %get3A_1 = vector.load %arg0[%get3A, %get3A_0] : memref<10000x128xf32, #tpu.memory_space<vmem>>, vector<10000x128xf32>
    %get3A_2 = arith.constant 0 : index
    %get3A_3 = arith.constant 0 : index
    %get3A_4 = vector.load %arg1[%get3A_2, %get3A_3] : memref<128x128xf32, #tpu.memory_space<vmem>>, vector<128x128xf32>
    %dot_general3A = arith.constant dense<0.000000e+00> : vector<10000x128xf32>
    %dot_general3A_5 = tpu.matmul %get3A_1, %get3A_4, %dot_general3A {dimension_numbers = #tpu.dot_dimension_numbers<[1], [1], [0], [0], [0, 0, 1, 0], [], []>, transpose_lhs_hint = false} : vector<10000x128xf32>, vector<128x128xf32>, vector<10000x128xf32> -> vector<10000x128xf32>
    %get3A_6 = arith.constant 0 : index
    %get3A_7 = arith.constant 0 : index
    %get3A_8 = vector.load %arg2[%get3A_6, %get3A_7] : memref<1x128xf32, #tpu.memory_space<vmem>>, vector<1x128xf32>
    %add3A = vector.broadcast %get3A_8 : vector<1x128xf32> to vector<10000x128xf32>
    %add3A_9 = arith.addf %dot_general3A_5, %add3A : vector<10000x128xf32>
    %mul3A = arith.mulf %add3A_9, %add3A_9 : vector<10000x128xf32>
    %reduce_sum3A = arith.constant dense<0.000000e+00> : vector<10000xf32>
    %reduce_sum3A_10 = vector.multi_reduction <add>, %mul3A, %reduce_sum3A [1] : vector<10000x128xf32> to vector<10000xf32>
    %broadcast_in_dim3A = vector.shape_cast %reduce_sum3A_10 : vector<10000xf32> to vector<10000x1xf32>
    %sqrt3A = math.sqrt %broadcast_in_dim3A : vector<10000x1xf32>
    %max3A = arith.constant 9.99999996E-13 : f32
    %max3A_11 = vector.broadcast %max3A : f32 to vector<10000x1xf32>
    %max3A_12 = arith.maximumf %sqrt3A, %max3A_11 : vector<10000x1xf32>
    %div3A = arith.constant 1.800000e+00 : f32
    %div3A_13 = vector.broadcast %div3A : f32 to vector<10000x1xf32>
    %div3A_14 = arith.divf %div3A_13, %max3A_12 : vector<10000x1xf32>
    %mul3A_15 = vector.broadcast %div3A_14 : vector<10000x1xf32> to vector<10000x128xf32>
    %mul3A_16 = arith.mulf %add3A_9, %mul3A_15 : vector<10000x128xf32>
    %get3A_17 = arith.constant 0 : index
    %get3A_18 = arith.constant 0 : index
    %get3A_19 = arith.constant 0 : index
    %get3A_20 = vector.load %arg3[%get3A_17, %get3A_18, %get3A_19] : memref<2x10240x1xf32, #tpu.memory_space<vmem>>, vector<1x10000x1xf32>
    %get3A_21 = vector.shape_cast %get3A_20 : vector<1x10000x1xf32> to vector<10000x1xf32>
    %get3A_22 = arith.constant 1 : index
    %get3A_23 = arith.constant 0 : index
    %get3A_24 = arith.constant 0 : index
    %get3A_25 = vector.load %arg3[%get3A_22, %get3A_23, %get3A_24] : memref<2x10240x1xf32, #tpu.memory_space<vmem>>, vector<1x10000x1xf32>
    %get3A_26 = vector.shape_cast %get3A_25 : vector<1x10000x1xf32> to vector<10000x1xf32>
    %add3A_27 = arith.addf %get3A_21, %get3A_26 : vector<10000x1xf32>
    %add3A_28 = arith.constant 1.000000e+00 : f32
    %add3A_29 = vector.broadcast %add3A_28 : f32 to vector<10000x1xf32>
    %add3A_30 = arith.addf %add3A_27, %add3A_29 : vector<10000x1xf32>
    %max3A_31 = arith.constant 1.000000e+00 : f32
    %max3A_32 = vector.broadcast %max3A_31 : f32 to vector<10000x1xf32>
    %max3A_33 = arith.maximumf %add3A_30, %max3A_32 : vector<10000x1xf32>
    %rsqrt3A = math.rsqrt %max3A_33 : vector<10000x1xf32>
    %mul3A_34 = vector.broadcast %rsqrt3A : vector<10000x1xf32> to vector<10000x128xf32>
    %mul3A_35 = arith.mulf %mul3A_16, %mul3A_34 : vector<10000x128xf32>
    %swap3A = arith.constant 0 : index
    %swap3A_36 = arith.constant 0 : index
    %swap3A_37 = vector.load %arg4[%swap3A, %swap3A_36] : memref<10000x128xf32, #tpu.memory_space<vmem>>, vector<10000x128xf32>
    tpu.vector_store %arg4[%swap3A, %swap3A_36], %mul3A_35 {strides = array<i32>} : memref<10000x128xf32, #tpu.memory_space<vmem>>, vector<10000x128xf32>,
    return
  }
}

module attributes {stable_mosaic.version = 14 : i64} {
  func.func @_combine_body(%arg0: memref<10000x128xf32, #tpu.memory_space<vmem>>, %arg1: memref<2x10240x128xf32, #tpu.memory_space<vmem>>, %arg2: memref<2x10240x1xf32, #tpu.memory_space<vmem>>, %arg3: memref<10000x128xf32, #tpu.memory_space<vmem>>) attributes {dimension_semantics = [], scalar_prefetch = 0 : i64, scratch_operands = 0 : i64, tpu.core_type = #tpu.core_type<tc>} {
    %get3A = arith.constant 0 : index
    %get3A_0 = arith.constant 0 : index
    %get3A_1 = arith.constant 0 : index
    %get3A_2 = vector.load %arg2[%get3A, %get3A_0, %get3A_1] : memref<2x10240x1xf32, #tpu.memory_space<vmem>>, vector<1x10000x1xf32>
    %get3A_3 = vector.shape_cast %get3A_2 : vector<1x10000x1xf32> to vector<10000x1xf32>
    %get3A_4 = arith.constant 1 : index
    %get3A_5 = arith.constant 0 : index
    %get3A_6 = arith.constant 0 : index
    %get3A_7 = vector.load %arg2[%get3A_4, %get3A_5, %get3A_6] : memref<2x10240x1xf32, #tpu.memory_space<vmem>>, vector<1x10000x1xf32>
    %get3A_8 = vector.shape_cast %get3A_7 : vector<1x10000x1xf32> to vector<10000x1xf32>
    %add3A = arith.addf %get3A_3, %get3A_8 : vector<10000x1xf32>
    %add3A_9 = arith.constant 1.000000e+00 : f32
    %add3A_10 = vector.broadcast %add3A_9 : f32 to vector<10000x1xf32>
    %add3A_11 = arith.addf %add3A, %add3A_10 : vector<10000x1xf32>
    %max3A = arith.constant 1.000000e+00 : f32
    %max3A_12 = vector.broadcast %max3A : f32 to vector<10000x1xf32>
    %max3A_13 = arith.maximumf %add3A_11, %max3A_12 : vector<10000x1xf32>
    %rsqrt3A = math.rsqrt %max3A_13 : vector<10000x1xf32>
    %get3A_14 = arith.constant 0 : index
    %get3A_15 = arith.constant 0 : index
    %get3A_16 = vector.load %arg0[%get3A_14, %get3A_15] : memref<10000x128xf32, #tpu.memory_space<vmem>>, vector<10000x128xf32>
    %get3A_17 = arith.constant 0 : index
    %get3A_18 = arith.constant 0 : index
    %get3A_19 = arith.constant 0 : index
    %get3A_20 = vector.load %arg1[%get3A_17, %get3A_18, %get3A_19] : memref<2x10240x128xf32, #tpu.memory_space<vmem>>, vector<1x10000x128xf32>
    %get3A_21 = vector.shape_cast %get3A_20 : vector<1x10000x128xf32> to vector<10000x128xf32>
    %add3A_22 = arith.addf %get3A_16, %get3A_21 : vector<10000x128xf32>
    %get3A_23 = arith.constant 1 : index
    %get3A_24 = arith.constant 0 : index
    %get3A_25 = arith.constant 0 : index
    %get3A_26 = vector.load %arg1[%get3A_23, %get3A_24, %get3A_25] : memref<2x10240x128xf32, #tpu.memory_space<vmem>>, vector<1x10000x128xf32>
    %get3A_27 = vector.shape_cast %get3A_26 : vector<1x10000x128xf32> to vector<10000x128xf32>
    %add3A_28 = arith.addf %add3A_22, %get3A_27 : vector<10000x128xf32>
    %mul3A = vector.broadcast %rsqrt3A : vector<10000x1xf32> to vector<10000x128xf32>
    %mul3A_29 = arith.mulf %mul3A, %add3A_28 : vector<10000x128xf32>
    %swap3A = arith.constant 0 : index
    %swap3A_30 = arith.constant 0 : index
    %swap3A_31 = vector.load %arg3[%swap3A, %swap3A_30] : memref<10000x128xf32, #tpu.memory_space<vmem>>, vector<10000x128xf32>
    tpu.vector_store %arg3[%swap3A, %swap3A_30], %mul3A_29 {strides = array<i32>} : memref<10000x128xf32, #tpu.memory_space<vmem>>, vector<10000x128xf32>,
    return
  }
}

</mosaic_0001>

<sc_bundles>
// kernel: kernel.6.cloned.1.call-start
scs
__scs_entry_jumppad:
0x0: {  	(pc) =	sbr.rel $0x88, $3  }
0x1: {  	(tag) =	ssettag $0x0;
	lr =	simm.s32 $0x1  }
0x2: {  	[smem:$0x3F9D] =	sst lr;
	_ =	strace $0xD0000000  }
0x3: {  	_ = 	snop  }
0x4: {  	_ = 	snop  }
0x5: {  	_ = 	snop  }
0x6: {  	_ = 	snop  }
0x7: {  	_ = 	snop  }
__scs_overlays_trampoline_lowered:
0x8: {  	[smem:$0x3FAC] =	sst s0  }
0x9: {  	[smem:$0x3FAD] =	sst s1  }
0xa: {  	[smem:$0x3FAE] =	sst s2  }
0xb: {  	[smem:$0x3FAF] =	sst s3  }
0xc: {  	[smem:$0x3FB0] =	sst s4  }
0xd: {  	[smem:$0x3FB1] =	sst s5  }
0xe: {  	[smem:$0x3FB2] =	sst s6  }
0xf: {  	[smem:$0x3FB3] =	sst s7  }
0x10: {  	[smem:$0x3FB4] =	sst s8  }
0x11: {  	[smem:$0x3FB5] =	sst s9;
	s0 =	simm.s32 @!p0 $0x0  }
0x12: {  	s1 =	sld [smem:$0x3F9B];
	s0 =	simm.s32 @p0 $0x1  }
0x13: {  	[smem:$0x3FB6] =	sst s0;
	s0 =	simm.s32 @!p1 $0x0  }
0x14: {  	s2 =	sld [smem:$0x3F9A];
	s0 =	simm.s32 @p1 $0x1  }
0x15: {  	[smem:$0x3FB7] =	sst s0;
	s0 =	simm.s32 @!p2 $0x0  }
0x16: {  	s3 =	sld [smem:$0x3FDB];
	s0 =	simm.s32 @p2 $0x1  }
0x17: {  	s4 =	simm.s32 $0x1BF5;
	[smem:$0x3FB9] =	sst s0  }
0x18: {  	s0 =	sld [smem:$0x3F9C];
	_ =	swait.ge [sflag:s4], $0x0  }
0x19: {  	s7 =	sld [smem:$0x3F9D]  }
0x1a: {  	s8 =	sadd.s32 $0xFFFFE003, lr  }
0x1b: {  	s9 =	sadd.s32 $0xFFFFFEF7, lr;
	s5 =	simm.s32 $0xFFFFFFFF;
	p2 =	slt.u32 s8, $0xFFFFF086  }
0x1c: {  	p1 =	slt.u32 s9, $0xF7A;
	s5 =	simm.s32 @!p2 $0x0  }
0x1d: {  	s5 =	simm.s32 @p1 $0x1;
	p0 =	seq.s32 s7, s2  }
0x1e: {  	s7 =	smul.u32 @!p0 $0xF7A, s2;
	p2 =	seq.s32 @!p0 s5, $0x0  }
0x1f: {  	s9 =	smul.u32 $0xF7A, s1;
	s8 =	simm.s32 @!p0 $0x1BF5;
	p2 =	por !p2, p0  }
0x20: {  	[sflag:s8] =	ssyncset.s32 @!p0 $0xFFFFF086;
	s6 =	sadd.s32 @!p0 s3, s7;
	s7 =	simm.s32 @!p0 $0x108  }
0x21: {  	s3 =	sadd.s32 s3, s9;
	s6 =	sadd.s32 @!p0 $0x88, s6;
	s7 =	simm.s32 @p2 $0x1082  }
0x22: {  	[simem:s7], [sflag:s8] =	dma.local @!p0 [hbm:s6], $0xF7A  }
0x23: {  	s9 =	sor.u32 $0xD0000000, s2;
	s6 =	simm.s32 $0x108;
	_ =	swait.ge @!p0 [sflag:s8], $0x0  }
0x24: {  	s3 =	sadd.s32 $0x88, s3;
	s6 =	simm.s32 @!p1 $0x1082;
	[sflag:s4] =	ssyncset.s32 $0xFFFFF086  }
0x25: {  	[simem:s6], [sflag:s4] =	dma.local [hbm:s3], $0xF7A  }
0x26: {  	[smem:$0x3F9D] =	sst s1;
	(tag) =	ssettag s2;
	_ =	strace s9  }
0x27: {  	s1 =	sld [smem:$0x3FAD]  }
0x28: {  	s2 =	sld [smem:$0x3FAE]  }
0x29: {  	s4 =	sld [smem:$0x3FB0]  }
0x2a: {  	p0 =	seq.s32 s5, $0x0;
	s5 =	sld [smem:$0x3FB1]  }
0x2b: {  	s6 =	sld [smem:$0x3FB2]  }
0x2c: {  	s7 =	sld [smem:$0x3FB3]  }
0x2d: {  	s3 =	simm.s32 $0x108;
	s8 =	sld [smem:$0x3FB4]  }
0x2e: {  	s3 =	simm.s32 @!p0 $0x1082;
	s9 =	sld [smem:$0x3FB5]  }
0x2f: {  	lr =	sadd.s32 s0, s3;
	s0 =	sld [smem:$0x3FAC]  }
0x30: {  	s3 =	sld [smem:$0x3FAF]  }
0x31: {  	[smem:$0x3FB8] =	sst s10  }
0x32: {  	s10 =	sld [smem:$0x3FB6];
	_ =	sdelay $0x3  }
0x33: {  	p0 =	seq.s32 s10, $0x1;
	s10 =	sld [smem:$0x3FB8];
	_ =	sdelay $0x3  }
0x34: {  	[smem:$0x3FB8] =	sst s10  }
0x35: {  	s10 =	sld [smem:$0x3FB7];
	_ =	sdelay $0x3  }
0x36: {  	p1 =	seq.s32 s10, $0x1;
	s10 =	sld [smem:$0x3FB8];
	_ =	sdelay $0x3  }
0x37: {  	[smem:$0x3FB8] =	sst s10  }
0x38: {  	s10 =	sld [smem:$0x3FB9]  }
0x39: {  	_ = 	snop;
	(pc) =	sbr.ind lr, $3  }
0x3a: {  	_ = 	snop  }
0x3b: {  	_ = 	snop  }
0x3c: {  	p2 =	seq.s32 s10, $0x1;
	s10 =	sld [smem:$0x3FB8]  }
0x3d: {  	_ =	shalt  }
0x3e: {  	_ =	shalt  }
0x3f: {  	_ =	shalt  }
0x40: {  	_ =	shalt  }
0x41: {  	_ =	shalt  }
0x42: {  	_ =	shalt  }
0x43: {  	_ =	shalt  }
0x44: {  	_ =	shalt  }
0x45: {  	_ =	shalt  }
0x46: {  	_ =	shalt  }
0x47: {  	_ =	shalt  }
0x48: {  	_ =	shalt  }
0x49: {  	_ =	shalt  }
0x4a: {  	_ =	shalt  }
0x4b: {  	_ =	shalt  }
0x4c: {  	_ =	shalt  }
0x4d: {  	_ =	shalt  }
0x4e: {  	_ =	shalt  }
0x4f: {  	_ =	shalt  }
0x50: {  	_ =	shalt  }
0x51: {  	_ =	shalt  }
0x52: {  	_ =	shalt  }
0x53: {  	_ =	shalt  }
0x54: {  	_ =	shalt  }
0x55: {  	_ =	shalt  }
0x56: {  	_ =	shalt  }
0x57: {  	_ =	shalt  }
0x58: {  	_ =	shalt  }
0x59: {  	_ =	shalt  }
0x5a: {  	_ =	shalt  }
0x5b: {  	_ =	shalt  }
0x5c: {  	_ =	shalt  }
0x5d: {  	_ =	shalt  }
0x5e: {  	_ =	shalt  }
0x5f: {  	_ =	shalt  }
0x60: {  	_ =	shalt  }
0x61: {  	_ =	shalt  }
0x62: {  	_ =	shalt  }
0x63: {  	_ =	shalt  }
0x64: {  	_ =	shalt  }
0x65: {  	_ =	shalt  }
0x66: {  	_ =	shalt  }
0x67: {  	_ =	shalt  }
0x68: {  	_ =	shalt  }
0x69: {  	_ =	shalt  }
0x6a: {  	_ =	shalt  }
0x6b: {  	_ =	shalt  }
0x6c: {  	_ =	shalt  }
0x6d: {  	_ =	shalt  }
0x6e: {  	_ =	shalt  }
0x6f: {  	_ =	shalt  }
0x70: {  	_ =	shalt  }
0x71: {  	_ =	shalt  }
0x72: {  	_ =	shalt  }
0x73: {  	_ =	shalt  }
0x74: {  	_ =	shalt  }
0x75: {  	_ =	shalt  }
0x76: {  	_ =	shalt  }
0x77: {  	_ =	shalt  }
0x78: {  	_ =	shalt  }
0x79: {  	_ =	shalt  }
0x7a: {  	_ =	shalt  }
0x7b: {  	_ =	shalt  }
0x7c: {  	_ =	shalt  }
0x7d: {  	_ =	shalt  }
0x7e: {  	_ =	shalt  }
0x7f: {  	_ =	shalt  }
0x80: {  	_ =	shalt  }
0x81: {  	_ =	shalt  }
0x82: {  	_ =	shalt  }
0x83: {  	_ =	shalt  }
0x84: {  	_ =	shalt  }
0x85: {  	_ =	shalt  }
0x86: {  	_ =	shalt  }
0x87: {  	_ =	shalt  }
.Lfunc_end0:
.L_simem_size_0:
called_computation_lowered:
.L_overlay_start_0:
0x88: {  	s2 =	sld [smem:$0x3FD9]  }
0x89: {  	s3 =	sld [smem:$0x3FFE];
	_ =	sdelay $0x1  }
0x8a: {  	s1 =	srdreg.scid  }
0x8b: {  	s0 =	sand.u32 $0x1, s1  }
0x8c: {  	s17 =	sshll.u32 s0, $0xA;
	s2 =	sadd.s32 s3, s2  }
0x8d: {  	s2 =	sadd.s32 s2, s17  }
0x8e: {  	[smem:$0x3FC4] =	sst s2  }
0x8f: {  	_ = 	snop  }
0x90: {  	s2 =	sld [smem:$0x3FD0];
	(tm) =	ssettm $0x1  }
0x91: {  	s18 =	sld [smem:$0x3FFB];
	_ =	sdelay $0x3  }
0x92: {  	_ =	strace s18  }
0x93: {  	s3 =	sld [smem:$0x3FFC];
	_ =	sdelay $0x3  }
0x94: {  	_ =	strace s3  }
0x95: {  	s3 =	sld [smem:$0x3FFD];
	_ =	sdelay $0x3  }
0x96: {  	_ =	strace s3  }
0x97: {  	_ =	strace $0x8FFFFFFF  }
0x98: {  	s19 =	sld [smem:$0x3FDB];
	_ =	sdelay $0x1  }
0x99: {  	s4 =	simm.s32 $_scs_section_size  }
0x9a: {  	s5 =	simm.s32 $_size__tile_overlayer_lowered;
	s6 =	simm.s32 $_tile_overlayer_lowered  }
0x9b: {  	s22 =	simm.s32 $0x1BFF;
	s21 =	sshll.u32 s6, $0x1;
	s3 =	sadd.s32 s4, s19  }
0x9c: {  	s7 =	simm.s32 $0x0;
	s20 =	sshll.u32 s5, $0x1;
	s5 =	sadd.s32 s21, s3  }
0x9d: {  	[timem:s7], [sflag:s22] =	dma.local [hbm:s5], s20  }
0x9e: {  	_ =	swait.ge [sflag:s22], s20  }
0x9f: {  	s4 =	ssub.s32 $0x0, s20;
	[sflag:s22] =	ssyncset.done $0x0  }
0xa0: {  	[sflag:s22] =	ssyncadd.s32 s4;
	_ =	sdelay $0x1  }
0xa1: {  	s23 =	simm.s32 $0x1B8B  }
0xa2: {  	_ =	swait.ge [sflag:s23], $0x1  }
0xa3: {  	[sflag:s23] =	ssyncset.done $0x0  }
0xa4: {  	s25 =	simm.s32 $0x1B8E;
	s24 =	sld [smem:$0x3FFE];
	[sflag:s23] =	ssyncadd.s32 $0xFFFFFFFF  }
0xa5: {  	s26 =	simm.s32 $execute0_lowered;
	[smem:$0x3FD2] =	sst s25  }
0xa6: {  	s5 =	sshll.u32 s26, $0x1;
	_ =	strace $0x80000046;
	[dreg:$0x1] =	wrdreg $0xFFFFFFFF  }
0xa7: {  	s28 =	simm.s32 $_size_execute0_lowered;
	s3 =	sadd.s32 s3, s5;
	[dreg:$0x0] =	wrdreg $0x0  }
0xa8: {  	s5 =	sshll.u32 s28, $0x1;
	[dreg:$0x2] =	wrdreg s3  }
0xa9: {  	[dreg:$0x3] =	wrdreg s5  }
0xaa: {  	[dreg:$0x4] =	wrdreg $0xC0  }
0xab: {  	_ =	task [dreg:s7], $0x5FFFF  }
0xac: {  	[dreg:$0x1] =	wrdreg $0xFFFFFFFF  }
0xad: {  	[dreg:$0x0] =	wrdreg $0x60  }
0xae: {  	[dreg:$0x2] =	wrdreg s2  }
0xaf: {  	[dreg:$0x3] =	wrdreg s24  }
0xb0: {  	[dreg:$0x4] =	wrdreg $0x77800  }
0xb1: {  	[dreg:$0x5] =	wrdreg $0x9  }
0xb2: {  	_ =	task.clear_ibuf [dreg:s7], $0x6FFFF;
	_ =	strace $0x90000046  }
0xb3: {  	s29 =	simm.s32 $0x9;
	_ =	strace $0x80000048  }
0xb4: {  	_ =	swait.ge [sflag:s29], $0x1  }
0xb5: {  	[sflag:s29] =	ssyncadd.s32 $0xFFFFFFFF  }
0xb6: {  	_ =	strace $0x90000048  }
0xb7: {  	_ =	sfence  }
0xb8: {  	s30 =	sld [smem:$0x0];
	_ =	sdelay $0x2  }
0xb9: {  	s31 =	sshll.u32 s1, $0xD;
	s1 =	sshrl.u32 s1, $0x2  }
0xba: {  	s3 =	sand.u32 $0x4000, s31;
	s1 =	sadd.s32 s1, s30  }
0xbb: {  	s0 =	sor.u32 s3, s0;
	s1 =	sshll.u32 s1, $0x11  }
0xbc: {  	s0 =	sor.u32 s1, s0  }
0xbd: {  	s0 =	sadd.s32 $0x8F2B, s0  }
0xbe: {  	[sflag:s0] =	ssyncadd.remote.s32 $0x1  }
0xbf: {  	_ =	sfence.sel $0xFFFF  }
0xc0: {  	[dreg:$0x0] =	wrdreg $0xFFFFFFFF;
	(pc) =	sbr.abs _section_cstart, $3  }
0xc1: {  	[dreg:$0x1] =	wrdreg $0xFFFFFFFF  }
0xc2: {  	_ =	task.clear_ibuf [dreg:s7], $0x2FFFF;
	_ =	strace $0x9FFFFFFF  }
0xc3: {  	(tm) =	ssettm $0x7FFFFFFF  }
tec
execute0_lowered:
.L_overlay_start_1:
0x0: {  	(tag) =	ssettag $0x1  }
0x1: {  	s0 =	rddreg [dreg:$0x0]  }
0x2: {  	s1 =	rddreg [dreg:$0x1]  }
0x3: {  	s2 =	rddreg [dreg:$0x2]  }
0x4: {  	s3 =	srdreg.scid;
	s4 =	simm.s32 $0x0;
	s9 =	stileid.u32  }
0x5: {  	s3 =	sand.u32 $0x1, s3;
	[smem:$0x7FF] =	sst s4;
	s24 =	smul.u32 $0x500, s9  }
0x6: {  	s7 =	sadd.s32 $0x1400, s1;
	s25 =	sshrl.u32 s9, $0x3;
	s26 =	sshll.u32 s9, $0x7  }
0x7: {  	s5 =	sshll.u32 s3, $0x4;
	_ =	strace $0x80000047;
	s6 =	sshll.u32 s3, $0x7  }
0x8: {  	s5 =	sor.u32 s9, s5;
	s4 =	sor.u32 s6, s24;
	s6 =	smul.u32 $0x50000, s25  }
0x9: {  	[dreg:$0x4] =	wrdreg s7;
	s9 =	smul.u32 $0x5000, s9;
	s5 =	sshrl.u32 s5, $0x3  }
0xa: {  	s7 =	sand.u32 $0x380, s26;
	s4 =	sshrl.u32 s4, $0x3;
	s5 =	smul.u32 $0x13C00, s5  }
0xb: {  	s1 =	sadd.s32 s4, s1;
	s11 =	sshrl.u32 s6, $0x2;
	s12 =	sshrl.u32 s9, $0x2  }
0xc: {  	s6 =	sadd.s32 $0x1A00, s1;
	s10 =	sor.u32 s7, s5;
	s5 =	sadd.s32 s12, s2  }
0xd: {  	[dreg:$0x16] =	wrdreg s6;
	s14 =	sadd.s32 $0x80, s5  }
0xe: {  	s15 =	sadd.s32 $0x100, s5;
	[dreg:$0x7] =	wrdreg s14  }
0xf: {  	s16 =	sadd.s32 $0x180, s5;
	[dreg:$0x8] =	wrdreg s15  }
0x10: {  	s17 =	sadd.s32 $0x200, s5;
	[dreg:$0x9] =	wrdreg s16  }
0x11: {  	s18 =	sadd.s32 $0x280, s5;
	[dreg:$0xa] =	wrdreg s17  }
0x12: {  	s19 =	sadd.s32 $0x300, s5;
	[dreg:$0xb] =	wrdreg s18  }
0x13: {  	s20 =	sadd.s32 $0x380, s5;
	[dreg:$0xc] =	wrdreg s19  }
0x14: {  	s21 =	sadd.s32 $0x14000, s5;
	[dreg:$0xd] =	wrdreg s20  }
0x15: {  	s22 =	sadd.s32 $0x14080, s5;
	[dreg:$0xe] =	wrdreg s21  }
0x16: {  	s23 =	sadd.s32 $0x14100, s5;
	[dreg:$0xf] =	wrdreg s22  }
0x17: {  	s24 =	sadd.s32 $0x14180, s5;
	[dreg:$0x10] =	wrdreg s23  }
0x18: {  	s3 =	ssub.s32 $0x2, s3;
	s25 =	sadd.s32 $0x14200, s5;
	[dreg:$0x11] =	wrdreg s24  }
0x19: {  	s8 =	sshrl.u32 s3, $0x1;
	s26 =	sadd.s32 $0x14280, s5;
	[dreg:$0x12] =	wrdreg s25  }
0x1a: {  	s13 =	sadd.s32 s11, s2;
	s2 =	sadd.s32 $0x14300, s5;
	[dreg:$0x13] =	wrdreg s26  }
0x1b: {  	s3 =	ssub.s32 s3, s8;
	s8 =	sadd.s32 $0x400, s5;
	[dreg:$0x14] =	wrdreg s2  }
0x1c: {  	s9 =	sadd.s32 $0x800, s5;
	[dreg:$0x18] =	wrdreg s8  }
0x1d: {  	s4 =	sshrl.u32 s10, $0x3;
	s10 =	sadd.s32 $0xC00, s5;
	[dreg:$0x19] =	wrdreg s9  }
0x1e: {  	s11 =	sadd.s32 $0x1000, s5;
	[dreg:$0x1a] =	wrdreg s10  }
0x1f: {  	s12 =	sadd.s32 $0x480, s5;
	[dreg:$0x1b] =	wrdreg s11  }
0x20: {  	s1 =	sadd.s32 $0x1200, s5;
	[dreg:$0x1c] =	wrdreg s12  }
0x21: {  	s6 =	sadd.s32 $0x1280, s5;
	[smem:$0x7E5] =	sst s1  }
0x22: {  	s0 =	sadd.s32 s0, s4;
	[smem:$0x7E9] =	sst s6  }
0x23: {  	s4 =	sadd.s32 $0x14380, s5;
	[dreg:$0x5] =	wrdreg s0  }
0x24: {  	s14 =	sadd.s32 $0xC80, s5;
	[dreg:$0x15] =	wrdreg s4  }
0x25: {  	s15 =	sadd.s32 $0x1080, s5;
	[dreg:$0x1e] =	wrdreg s14  }
0x26: {  	s16 =	sadd.s32 $0x500, s5;
	[dreg:$0x1f] =	wrdreg s15  }
0x27: {  	s17 =	sadd.s32 $0x900, s5;
	[smem:$0x7DA] =	sst s16  }
0x28: {  	s18 =	sadd.s32 $0xD00, s5;
	[smem:$0x7DB] =	sst s17  }
0x29: {  	s19 =	sadd.s32 $0x1100, s5;
	[smem:$0x7DC] =	sst s18  }
0x2a: {  	s20 =	sadd.s32 $0x580, s5;
	[smem:$0x7DD] =	sst s19  }
0x2b: {  	s21 =	sadd.s32 $0x980, s5;
	[smem:$0x7DE] =	sst s20  }
0x2c: {  	s22 =	sadd.s32 $0xD80, s5;
	[smem:$0x7DF] =	sst s21  }
0x2d: {  	s23 =	sadd.s32 $0x1180, s5;
	[smem:$0x7E0] =	sst s22  }
0x2e: {  	s24 =	sadd.s32 $0x600, s5;
	[smem:$0x7E1] =	sst s23  }
0x2f: {  	s25 =	sadd.s32 $0xA00, s5;
	[smem:$0x7E2] =	sst s24  }
0x30: {  	s26 =	sadd.s32 $0xE00, s5;
	[smem:$0x7E3] =	sst s25  }
0x31: {  	s2 =	sadd.s32 $0x680, s5;
	[smem:$0x7E4] =	sst s26  }
0x32: {  	s8 =	sadd.s32 $0xB00, s5;
	[smem:$0x7E6] =	sst s2  }
0x33: {  	s9 =	sadd.s32 $0xF00, s5;
	[smem:$0x7EB] =	sst s8  }
0x34: {  	s10 =	sadd.s32 $0x1300, s5;
	[smem:$0x7EC] =	sst s9  }
0x35: {  	s11 =	sadd.s32 $0x780, s5;
	[smem:$0x7ED] =	sst s10  }
0x36: {  	s12 =	sadd.s32 $0xB80, s5;
	[smem:$0x7EE] =	sst s11  }
0x37: {  	s0 =	sadd.s32 s7, s13;
	[smem:$0x7EF] =	sst s12  }
0x38: {  	s7 =	smax.u32 s3, $0x1;
	[dreg:$0x6] =	wrdreg s0  }
0x39: {  	s13 =	sadd.s32 $0x880, s5;
	[dreg:$0x17] =	wrdreg s7  }
0x3a: {  	s3 =	sadd.s32 $0xA80, s5;
	[dreg:$0x1d] =	wrdreg s13  }
0x3b: {  	s4 =	sadd.s32 $0xE80, s5;
	[smem:$0x7E7] =	sst s3  }
0x3c: {  	s14 =	sadd.s32 $0x1380, s5;
	[smem:$0x7E8] =	sst s4  }
0x3d: {  	s29 =	simm.s32 $0x2780;
	s15 =	sadd.s32 $0x14400, s5;
	[smem:$0x7F1] =	sst s14  }
0x3e: {  	s30 =	simm.s32 $0x1;
	s16 =	sadd.s32 $0x14800, s5;
	[smem:$0x7F2] =	sst s15  }
0x3f: {  	s31 =	simm.s32 $0x80;
	s17 =	sadd.s32 $0x14C00, s5;
	[smem:$0x7F3] =	sst s16  }
0x40: {  	s28 =	sadd.s32 $0x15380, s5;
	s18 =	sadd.s32 $0x15000, s5;
	[smem:$0x7F4] =	sst s17  }
0x41: {  	s1 =	simm.s32 $0x0;
	s19 =	sadd.s32 $0x14480, s5;
	[smem:$0x7F5] =	sst s18  }
0x42: {  	s20 =	sadd.s32 $0x14880, s5;
	s21 =	sadd.s32 $0x14C80, s5;
	[smem:$0x7F6] =	sst s19  }
0x43: {  	s22 =	sadd.s32 $0x15080, s5;
	s23 =	sadd.s32 $0x14500, s5;
	[smem:$0x7F7] =	sst s20  }
0x44: {  	s24 =	sadd.s32 $0x14900, s5;
	s25 =	sadd.s32 $0x14D00, s5;
	[smem:$0x7F8] =	sst s21  }
0x45: {  	s26 =	sadd.s32 $0x15100, s5;
	s8 =	sadd.s32 $0x14580, s5;
	[smem:$0x7F9] =	sst s22  }
0x46: {  	s9 =	sadd.s32 $0x14980, s5;
	s10 =	sadd.s32 $0x14D80, s5;
	[smem:$0x7FA] =	sst s23  }
0x47: {  	s11 =	sadd.s32 $0x15180, s5;
	s12 =	sadd.s32 $0x14600, s5;
	[smem:$0x7FB] =	sst s24  }
0x48: {  	s7 =	sadd.s32 $0x700, s5;
	s13 =	sadd.s32 $0xF80, s5;
	[smem:$0x7FC] =	sst s25  }
0x49: {  	[smem:$0x7FD] =	sst s26;
	s14 =	sadd.s32 $0x14E00, s5;
	s15 =	sadd.s32 $0x15200, s5  }
0x4a: {  	s16 =	sadd.s32 $0x14680, s5;
	s17 =	sadd.s32 $0x14A80, s5;
	s18 =	sadd.s32 $0x14E80, s5  }
0x4b: {  	s19 =	sadd.s32 $0x15280, s5;
	s20 =	sadd.s32 $0x14700, s5;
	s21 =	sadd.s32 $0x14B00, s5  }
0x4c: {  	s22 =	sadd.s32 $0x14F00, s5;
	s23 =	sadd.s32 $0x15300, s5;
	s24 =	sadd.s32 $0x14780, s5  }
0x4d: {  	s25 =	sadd.s32 $0x14B80, s5;
	s26 =	sadd.s32 $0x14F80, s5;
	[smem:$0x7EA] =	sst s7  }
0x4e: {  	v0 =	vimm.f32 $1.000000000e+00;
	s0 =	simm.s32 $0x400;
	[smem:$0x7F0] =	sst s13;
	s13 =	sadd.s32 $0x14A00, s5  }
.LBB2_1:
0x4f: {  	s2 =	simm.s32 $0x0;
	s3 =	rddreg [dreg:$0x4]  }
0x50: {  	[tilespmem:s29], [sflag:$0x1] =	stream.linear.gather [hbm4b:s3+s2], $0x2800, $0x38;
	[tilespmem:$0x9F80] =	vst v63  }
0x51: {  	_ =	swait.ge [sflag:s30], $0x2800  }
0x52: {  	[sflag:s30] =	ssyncset.done $0x0  }
0x53: {  	s7 =	rddreg [dreg:$0x5];
	[sflag:s30] =	ssyncadd.s32 $0xFFFFD800  }
0x54: {  	[tilespmem:s2], [sflag:$0x1] =	stream.strided.gather [hbm4b:s7+s31], $0x2780, s0, s31, $0x38;
	[tilespmem:$0x9F80] =	vst v63  }
0x55: {  	_ =	swait.ge [sflag:s30], $0x2780  }
0x56: {  	[sflag:s30] =	ssyncset.done $0x0  }
0x57: {  	s2 =	simm.s32 $0x0;
	[sflag:s30] =	ssyncadd.s32 $0xFFFFD880  }
.LBB2_2:
0x58: {  	s3 =	sshra.s32 s2, $0x2  }
0x59: {  	v1 =	vld [tilespmem:s3+$0x0];
	_ =	sdelay $0x7  }
0x5a: {  	[tilespmem:v1+s29+$0x0] =	vst.idx.add.f32.msk $0xffff, v0  }
0x5b: {  	v1 =	vld [tilespmem:s3+$0x10];
	_ =	sdelay $0x7  }
0x5c: {  	[tilespmem:v1+s29+$0x0] =	vst.idx.add.f32.msk $0xffff, v0  }
0x5d: {  	v1 =	vld [tilespmem:s3+$0x20];
	_ =	sdelay $0x7  }
0x5e: {  	[tilespmem:v1+s29+$0x0] =	vst.idx.add.f32.msk $0xffff, v0  }
0x5f: {  	v1 =	vld [tilespmem:s3+$0x30];
	_ =	sdelay $0x7  }
0x60: {  	[tilespmem:v1+s29+$0x0] =	vst.idx.add.f32.msk $0xffff, v0  }
0x61: {  	v1 =	vld [tilespmem:s3+$0x40];
	_ =	sdelay $0x2  }
0x62: {  	p0 =	sne.s32 s2, $0x9B00  }
.Ltmp0:
0x63: {  	_ = 	snop;
	(pc) =	sbr.rel @p0 .LBB2_2-.Ltmp0, $2  }
0x64: {  	_ =	sdelay $0x2  }
0x65: {  	s2 =	sadd.s32 $0x140, s2;
	[tilespmem:v1+s29+$0x0] =	vst.idx.add.f32.msk $0xffff, v0  }
0x66: {  	s2 =	simm.s32 $0x2780;
	s3 =	rddreg [dreg:$0x6]  }
0x67: {  	[spmem:s3] =	stream.strided.scatter [tilespmem:s2], [sflag:$0x1], $0x2800, s0, s31, $0x38;
	[tilespmem:$0x9F80] =	vst v63  }
0x68: {  	_ =	swait.ge [sflag:s30], $0x2800  }
0x69: {  	[sflag:s30] =	ssyncset.done $0x0  }
0x6a: {  	[sflag:s30] =	ssyncadd.s32 $0xFFFFD800  }
0x6b: {  	s6 =	simm.s32 $0x4F80;
	[bflag:$0x0] =	sbarrier.arrive $0xFFFF  }
0x6c: {  	[tilespmem:s6], [sflag:$0x1] =	stream.linear.gather [spmem:s5], $0x80, $0x38;
	[tilespmem:$0x9F80] =	vst v63  }
0x6d: {  	s4 =	simm.s32 $0x5380;
	s7 =	rddreg [dreg:$0x18]  }
0x6e: {  	[tilespmem:s4], [sflag:$0x1] =	stream.linear.gather [spmem:s7], $0x80, $0x38;
	[tilespmem:$0x9F80] =	vst v63  }
0x6f: {  	s6 =	rddreg [dreg:$0x19];
	s7 =	simm.s32 $0x5780  }
0x70: {  	[tilespmem:s7], [sflag:$0x1] =	stream.linear.gather [spmem:s6], $0x80, $0x38;
	[tilespmem:$0x9F80] =	vst v63  }
0x71: {  	s6 =	rddreg [dreg:$0x1a];
	s7 =	simm.s32 $0x5B80  }
0x72: {  	[tilespmem:s7], [sflag:$0x1] =	stream.linear.gather [spmem:s6], $0x80, $0x38;
	[tilespmem:$0x9F80] =	vst v63  }
0x73: {  	s6 =	rddreg [dreg:$0x1b];
	s7 =	simm.s32 $0x5F80  }
0x74: {  	[tilespmem:s7], [sflag:$0x1] =	stream.linear.gather [spmem:s6], $0x80, $0x38;
	[tilespmem:$0x9F80] =	vst v63  }
0x75: {  	_ =	swait.ge [sflag:s30], $0x280  }
0x76: {  	[sflag:s30] =	ssyncset.done $0x0  }
0x77: {  	s7 =	simm.s32 $0x5000;
	s6 =	rddreg [dreg:$0x7];
	[sflag:s30] =	ssyncadd.s32 $0xFFFFFD80  }
0x78: {  	[tilespmem:s7], [sflag:$0x1] =	stream.linear.gather [spmem:s6], $0x80, $0x38;
	[tilespmem:$0x9F80] =	vst v63  }
0x79: {  	s6 =	rddreg [dreg:$0x1c];
	s7 =	simm.s32 $0x5400  }
0x7a: {  	[tilespmem:s7], [sflag:$0x1] =	stream.linear.gather [spmem:s6], $0x80, $0x38;
	[tilespmem:$0x9F80] =	vst v63  }
0x7b: {  	s6 =	rddreg [dreg:$0x1d];
	s7 =	simm.s32 $0x5800  }
0x7c: {  	[tilespmem:s7], [sflag:$0x1] =	stream.linear.gather [spmem:s6], $0x80, $0x38;
	[tilespmem:$0x9F80] =	vst v63  }
0x7d: {  	s6 =	rddreg [dreg:$0x1e];
	s7 =	simm.s32 $0x5C00  }
0x7e: {  	[tilespmem:s7], [sflag:$0x1] =	stream.linear.gather [spmem:s6], $0x80, $0x38;
	[tilespmem:$0x9F80] =	vst v63  }
0x7f: {  	s6 =	rddreg [dreg:$0x1f];
	s7 =	simm.s32 $0x6000  }
0x80: {  	[tilespmem:s7], [sflag:$0x1] =	stream.linear.gather [spmem:s6], $0x80, $0x38;
	[tilespmem:$0x9F80] =	vst v63  }
0x81: {  	_ =	swait.ge [sflag:s30], $0x280  }
0x82: {  	[sflag:s30] =	ssyncset.done $0x0  }
0x83: {  	s7 =	simm.s32 $0x5080;
	s6 =	rddreg [dreg:$0x8];
	[sflag:s30] =	ssyncadd.s32 $0xFFFFFD80  }
0x84: {  	[tilespmem:s7], [sflag:$0x1] =	stream.linear.gather [spmem:s6], $0x80, $0x38;
	[tilespmem:$0x9F80] =	vst v63  }
0x85: {  	s6 =	sld [smem:$0x7DA];
	_ =	sdelay $0x1  }
0x86: {  	s7 =	simm.s32 $0x5480  }
0x87: {  	[tilespmem:s7], [sflag:$0x1] =	stream.linear.gather [spmem:s6], $0x80, $0x38;
	[tilespmem:$0x9F80] =	vst v63  }
0x88: {  	s6 =	sld [smem:$0x7DB];
	_ =	sdelay $0x1  }
0x89: {  	s7 =	simm.s32 $0x5880  }
0x8a: {  	[tilespmem:s7], [sflag:$0x1] =	stream.linear.gather [spmem:s6], $0x80, $0x38;
	[tilespmem:$0x9F80] =	vst v63  }
0x8b: {  	s6 =	sld [smem:$0x7DC];
	_ =	sdelay $0x1  }
0x8c: {  	s7 =	simm.s32 $0x5C80  }
0x8d: {  	[tilespmem:s7], [sflag:$0x1] =	stream.linear.gather [spmem:s6], $0x80, $0x38;
	[tilespmem:$0x9F80] =	vst v63  }
0x8e: {  	s6 =	sld [smem:$0x7DD];
	_ =	sdelay $0x1  }
0x8f: {  	s7 =	simm.s32 $0x6080  }
0x90: {  	[tilespmem:s7], [sflag:$0x1] =	stream.linear.gather [spmem:s6], $0x80, $0x38;
	[tilespmem:$0x9F80] =	vst v63  }
0x91: {  	_ =	swait.ge [sflag:s30], $0x280  }
0x92: {  	[sflag:s30] =	ssyncset.done $0x0  }
0x93: {  	s7 =	simm.s32 $0x5100;
	s6 =	rddreg [dreg:$0x9];
	[sflag:s30] =	ssyncadd.s32 $0xFFFFFD80  }
0x94: {  	[tilespmem:s7], [sflag:$0x1] =	stream.linear.gather [spmem:s6], $0x80, $0x38;
	[tilespmem:$0x9F80] =	vst v63  }
0x95: {  	s6 =	sld [smem:$0x7DE];
	_ =	sdelay $0x1  }
0x96: {  	s7 =	simm.s32 $0x5500  }
0x97: {  	[tilespmem:s7], [sflag:$0x1] =	stream.linear.gather [spmem:s6], $0x80, $0x38;
	[tilespmem:$0x9F80] =	vst v63  }
0x98: {  	s6 =	sld [smem:$0x7DF];
	_ =	sdelay $0x1  }
0x99: {  	s7 =	simm.s32 $0x5900  }
0x9a: {  	[tilespmem:s7], [sflag:$0x1] =	stream.linear.gather [spmem:s6], $0x80, $0x38;
	[tilespmem:$0x9F80] =	vst v63  }
0x9b: {  	s6 =	sld [smem:$0x7E0];
	_ =	sdelay $0x1  }
0x9c: {  	s7 =	simm.s32 $0x5D00  }
0x9d: {  	[tilespmem:s7], [sflag:$0x1] =	stream.linear.gather [spmem:s6], $0x80, $0x38;
	[tilespmem:$0x9F80] =	vst v63  }
0x9e: {  	s6 =	sld [smem:$0x7E1];
	_ =	sdelay $0x1  }
0x9f: {  	s7 =	simm.s32 $0x6100  }
0xa0: {  	[tilespmem:s7], [sflag:$0x1] =	stream.linear.gather [spmem:s6], $0x80, $0x38;
	[tilespmem:$0x9F80] =	vst v63  }
0xa1: {  	_ =	swait.ge [sflag:s30], $0x280  }
0xa2: {  	[sflag:s30] =	ssyncset.done $0x0  }
0xa3: {  	s7 =	simm.s32 $0x5180;
	s6 =	rddreg [dreg:$0xa];
	[sflag:s30] =	ssyncadd.s32 $0xFFFFFD80  }
0xa4: {  	[tilespmem:s7], [sflag:$0x1] =	stream.linear.gather [spmem:s6], $0x80, $0x38;
	[tilespmem:$0x9F80] =	vst v63  }
0xa5: {  	s6 =	sld [smem:$0x7E2];
	_ =	sdelay $0x1  }
0xa6: {  	s7 =	simm.s32 $0x5580  }
0xa7: {  	[tilespmem:s7], [sflag:$0x1] =	stream.linear.gather [spmem:s6], $0x80, $0x38;
	[tilespmem:$0x9F80] =	vst v63  }
0xa8: {  	s6 =	sld [smem:$0x7E3];
	_ =	sdelay $0x1  }
0xa9: {  	s7 =	simm.s32 $0x5980  }
0xaa: {  	[tilespmem:s7], [sflag:$0x1] =	stream.linear.gather [spmem:s6], $0x80, $0x38;
	[tilespmem:$0x9F80] =	vst v63  }
0xab: {  	s6 =	sld [smem:$0x7E4];
	_ =	sdelay $0x1  }
0xac: {  	s7 =	simm.s32 $0x5D80  }
0xad: {  	[tilespmem:s7], [sflag:$0x1] =	stream.linear.gather [spmem:s6], $0x80, $0x38;
	[tilespmem:$0x9F80] =	vst v63  }
0xae: {  	s6 =	sld [smem:$0x7E5];
	_ =	sdelay $0x1  }
0xaf: {  	s7 =	simm.s32 $0x6180  }
0xb0: {  	[tilespmem:s7], [sflag:$0x1] =	stream.linear.gather [spmem:s6], $0x80, $0x38;
	[tilespmem:$0x9F80] =	vst v63  }
0xb1: {  	_ =	swait.ge [sflag:s30], $0x280  }
0xb2: {  	[sflag:s30] =	ssyncset.done $0x0  }
0xb3: {  	s7 =	simm.s32 $0x5200;
	s6 =	rddreg [dreg:$0xb];
	[sflag:s30] =	ssyncadd.s32 $0xFFFFFD80  }
0xb4: {  	[tilespmem:s7], [sflag:$0x1] =	stream.linear.gather [spmem:s6], $0x80, $0x38;
	[tilespmem:$0x9F80] =	vst v63  }
0xb5: {  	s6 =	sld [smem:$0x7E6];
	_ =	sdelay $0x1  }
0xb6: {  	s7 =	simm.s32 $0x5600  }
0xb7: {  	[tilespmem:s7], [sflag:$0x1] =	stream.linear.gather [spmem:s6], $0x80, $0x38;
	[tilespmem:$0x9F80] =	vst v63  }
0xb8: {  	s6 =	sld [smem:$0x7E7];
	_ =	sdelay $0x1  }
0xb9: {  	s7 =	simm.s32 $0x5A00  }
0xba: {  	[tilespmem:s7], [sflag:$0x1] =	stream.linear.gather [spmem:s6], $0x80, $0x38;
	[tilespmem:$0x9F80] =	vst v63  }
0xbb: {  	s6 =	sld [smem:$0x7E8];
	_ =	sdelay $0x1  }
0xbc: {  	s7 =	simm.s32 $0x5E00  }
0xbd: {  	[tilespmem:s7], [sflag:$0x1] =	stream.linear.gather [spmem:s6], $0x80, $0x38;
	[tilespmem:$0x9F80] =	vst v63  }
0xbe: {  	s6 =	sld [smem:$0x7E9];
	_ =	sdelay $0x1  }
0xbf: {  	s7 =	simm.s32 $0x6200  }
0xc0: {  	[tilespmem:s7], [sflag:$0x1] =	stream.linear.gather [spmem:s6], $0x80, $0x38;
	[tilespmem:$0x9F80] =	vst v63  }
0xc1: {  	_ =	swait.ge [sflag:s30], $0x280  }
0xc2: {  	[sflag:s30] =	ssyncset.done $0x0  }
0xc3: {  	s7 =	simm.s32 $0x5280;
	s6 =	rddreg [dreg:$0xc];
	[sflag:s30] =	ssyncadd.s32 $0xFFFFFD80  }
0xc4: {  	[tilespmem:s7], [sflag:$0x1] =	stream.linear.gather [spmem:s6], $0x80, $0x38;
	[tilespmem:$0x9F80] =	vst v63  }
0xc5: {  	s6 =	sld [smem:$0x7EA];
	_ =	sdelay $0x1  }
0xc6: {  	s7 =	simm.s32 $0x5680  }
0xc7: {  	[tilespmem:s7], [sflag:$0x1] =	stream.linear.gather [spmem:s6], $0x80, $0x38;
	[tilespmem:$0x9F80] =	vst v63  }
0xc8: {  	s6 =	sld [smem:$0x7EB];
	_ =	sdelay $0x1  }
0xc9: {  	s7 =	simm.s32 $0x5A80  }
0xca: {  	[tilespmem:s7], [sflag:$0x1] =	stream.linear.gather [spmem:s6], $0x80, $0x38;
	[tilespmem:$0x9F80] =	vst v63  }
0xcb: {  	s6 =	sld [smem:$0x7EC];
	_ =	sdelay $0x1  }
0xcc: {  	s7 =	simm.s32 $0x5E80  }
0xcd: {  	[tilespmem:s7], [sflag:$0x1] =	stream.linear.gather [spmem:s6], $0x80, $0x38;
	[tilespmem:$0x9F80] =	vst v63  }
0xce: {  	s6 =	sld [smem:$0x7ED];
	_ =	sdelay $0x1  }
0xcf: {  	s7 =	simm.s32 $0x6280  }
0xd0: {  	[tilespmem:s7], [sflag:$0x1] =	stream.linear.gather [spmem:s6], $0x80, $0x38;
	[tilespmem:$0x9F80] =	vst v63  }
0xd1: {  	_ =	swait.ge [sflag:s30], $0x280  }
0xd2: {  	[sflag:s30] =	ssyncset.done $0x0  }
0xd3: {  	s7 =	simm.s32 $0x5300;
	s6 =	rddreg [dreg:$0xd];
	[sflag:s30] =	ssyncadd.s32 $0xFFFFFD80  }
0xd4: {  	[tilespmem:s7], [sflag:$0x1] =	stream.linear.gather [spmem:s6], $0x80, $0x38;
	[tilespmem:$0x9F80] =	vst v63  }
0xd5: {  	s6 =	sld [smem:$0x7EE];
	_ =	sdelay $0x1  }
0xd6: {  	s7 =	simm.s32 $0x5700  }
0xd7: {  	[tilespmem:s7], [sflag:$0x1] =	stream.linear.gather [spmem:s6], $0x80, $0x38;
	[tilespmem:$0x9F80] =	vst v63  }
0xd8: {  	s6 =	sld [smem:$0x7EF];
	_ =	sdelay $0x1  }
0xd9: {  	s7 =	simm.s32 $0x5B00  }
0xda: {  	[tilespmem:s7], [sflag:$0x1] =	stream.linear.gather [spmem:s6], $0x80, $0x38;
	[tilespmem:$0x9F80] =	vst v63  }
0xdb: {  	s6 =	sld [smem:$0x7F0];
	_ =	sdelay $0x1  }
0xdc: {  	s7 =	simm.s32 $0x5F00  }
0xdd: {  	[tilespmem:s7], [sflag:$0x1] =	stream.linear.gather [spmem:s6], $0x80, $0x38;
	[tilespmem:$0x9F80] =	vst v63  }
0xde: {  	s6 =	sld [smem:$0x7F1];
	_ =	sdelay $0x1  }
0xdf: {  	s7 =	simm.s32 $0x6300  }
0xe0: {  	[tilespmem:s7], [sflag:$0x1] =	stream.linear.gather [spmem:s6], $0x80, $0x38;
	[tilespmem:$0x9F80] =	vst v63  }
0xe1: {  	_ =	swait.ge [sflag:s30], $0x280  }
0xe2: {  	[sflag:s30] =	ssyncset.done $0x0  }
0xe3: {  	s7 =	simm.s32 $0x6380;
	s6 =	rddreg [dreg:$0xe];
	[sflag:s30] =	ssyncadd.s32 $0xFFFFFD80  }
0xe4: {  	[tilespmem:s7], [sflag:$0x1] =	stream.linear.gather [spmem:s6], $0x80, $0x38;
	[tilespmem:$0x9F80] =	vst v63  }
0xe5: {  	s6 =	sld [smem:$0x7F2];
	_ =	sdelay $0x1  }
0xe6: {  	s7 =	simm.s32 $0x6780  }
0xe7: {  	[tilespmem:s7], [sflag:$0x1] =	stream.linear.gather [spmem:s6], $0x80, $0x38;
	[tilespmem:$0x9F80] =	vst v63  }
0xe8: {  	s6 =	sld [smem:$0x7F3];
	_ =	sdelay $0x1  }
0xe9: {  	s7 =	simm.s32 $0x6B80  }
0xea: {  	[tilespmem:s7], [sflag:$0x1] =	stream.linear.gather [spmem:s6], $0x80, $0x38;
	[tilespmem:$0x9F80] =	vst v63  }
0xeb: {  	s6 =	sld [smem:$0x7F4];
	_ =	sdelay $0x1  }
0xec: {  	s7 =	simm.s32 $0x6F80  }
0xed: {  	[tilespmem:s7], [sflag:$0x1] =	stream.linear.gather [spmem:s6], $0x80, $0x38;
	[tilespmem:$0x9F80] =	vst v63  }
0xee: {  	s6 =	sld [smem:$0x7F5];
	_ =	sdelay $0x1  }
0xef: {  	s7 =	simm.s32 $0x7380  }
0xf0: {  	[tilespmem:s7], [sflag:$0x1] =	stream.linear.gather [spmem:s6], $0x80, $0x38;
	[tilespmem:$0x9F80] =	vst v63  }
0xf1: {  	_ =	swait.ge [sflag:s30], $0x280  }
0xf2: {  	[sflag:s30] =	ssyncset.done $0x0  }
0xf3: {  	s7 =	simm.s32 $0x6400;
	s6 =	rddreg [dreg:$0xf];
	[sflag:s30] =	ssyncadd.s32 $0xFFFFFD80  }
0xf4: {  	[tilespmem:s7], [sflag:$0x1] =	stream.linear.gather [spmem:s6], $0x80, $0x38;
	[tilespmem:$0x9F80] =	vst v63  }
0xf5: {  	s6 =	sld [smem:$0x7F6];
	_ =	sdelay $0x1  }
0xf6: {  	s7 =	simm.s32 $0x6800  }
0xf7: {  	[tilespmem:s7], [sflag:$0x1] =	stream.linear.gather [spmem:s6], $0x80, $0x38;
	[tilespmem:$0x9F80] =	vst v63  }
0xf8: {  	s6 =	sld [smem:$0x7F7];
	_ =	sdelay $0x1  }
0xf9: {  	s7 =	simm.s32 $0x6C00  }
0xfa: {  	[tilespmem:s7], [sflag:$0x1] =	stream.linear.gather [spmem:s6], $0x80, $0x38;
	[tilespmem:$0x9F80] =	vst v63  }
0xfb: {  	s6 =	sld [smem:$0x7F8];
	_ =	sdelay $0x1  }
0xfc: {  	s7 =	simm.s32 $0x7000  }
0xfd: {  	[tilespmem:s7], [sflag:$0x1] =	stream.linear.gather [spmem:s6], $0x80, $0x38;
	[tilespmem:$0x9F80] =	vst v63  }
0xfe: {  	s6 =	sld [smem:$0x7F9];
	_ =	sdelay $0x1  }
0xff: {  	s7 =	simm.s32 $0x7400  }
0x100: {  	[tilespmem:s7], [sflag:$0x1] =	stream.linear.gather [spmem:s6], $0x80, $0x38;
	[tilespmem:$0x9F80] =	vst v63  }
0x101: {  	_ =	swait.ge [sflag:s30], $0x280  }
0x102: {  	[sflag:s30] =	ssyncset.done $0x0  }
0x103: {  	s7 =	simm.s32 $0x6480;
	s6 =	rddreg [dreg:$0x10];
	[sflag:s30] =	ssyncadd.s32 $0xFFFFFD80  }
0x104: {  	[tilespmem:s7], [sflag:$0x1] =	stream.linear.gather [spmem:s6], $0x80, $0x38;
	[tilespmem:$0x9F80] =	vst v63  }
0x105: {  	s6 =	sld [smem:$0x7FA];
	_ =	sdelay $0x1  }
0x106: {  	s7 =	simm.s32 $0x6880  }
0x107: {  	[tilespmem:s7], [sflag:$0x1] =	stream.linear.gather [spmem:s6], $0x80, $0x38;
	[tilespmem:$0x9F80] =	vst v63  }
0x108: {  	s6 =	sld [smem:$0x7FB];
	_ =	sdelay $0x1  }
0x109: {  	s7 =	simm.s32 $0x6C80  }
0x10a: {  	[tilespmem:s7], [sflag:$0x1] =	stream.linear.gather [spmem:s6], $0x80, $0x38;
	[tilespmem:$0x9F80] =	vst v63  }
0x10b: {  	s6 =	sld [smem:$0x7FC];
	_ =	sdelay $0x1  }
0x10c: {  	s7 =	simm.s32 $0x7080  }
0x10d: {  	[tilespmem:s7], [sflag:$0x1] =	stream.linear.gather [spmem:s6], $0x80, $0x38;
	[tilespmem:$0x9F80] =	vst v63  }
0x10e: {  	s6 =	sld [smem:$0x7FD];
	_ =	sdelay $0x1  }
0x10f: {  	s7 =	simm.s32 $0x7480  }
0x110: {  	[tilespmem:s7], [sflag:$0x1] =	stream.linear.gather [spmem:s6], $0x80, $0x38;
	[tilespmem:$0x9F80] =	vst v63  }
0x111: {  	_ =	swait.ge [sflag:s30], $0x280  }
0x112: {  	[sflag:s30] =	ssyncset.done $0x0  }
0x113: {  	s6 =	simm.s32 $0x6500;
	s4 =	rddreg [dreg:$0x11];
	[sflag:s30] =	ssyncadd.s32 $0xFFFFFD80  }
0x114: {  	[tilespmem:s6], [sflag:$0x1] =	stream.linear.gather [spmem:s4], $0x80, $0x38;
	[tilespmem:$0x9F80] =	vst v63  }
0x115: {  	s7 =	simm.s32 $0x6900  }
0x116: {  	[tilespmem:s7], [sflag:$0x1] =	stream.linear.gather [spmem:s8], $0x80, $0x38;
	[tilespmem:$0x9F80] =	vst v63  }
0x117: {  	s4 =	simm.s32 $0x6D00  }
0x118: {  	[tilespmem:s4], [sflag:$0x1] =	stream.linear.gather [spmem:s9], $0x80, $0x38;
	[tilespmem:$0x9F80] =	vst v63  }
0x119: {  	s6 =	simm.s32 $0x7100  }
0x11a: {  	[tilespmem:s6], [sflag:$0x1] =	stream.linear.gather [spmem:s10], $0x80, $0x38;
	[tilespmem:$0x9F80] =	vst v63  }
0x11b: {  	s7 =	simm.s32 $0x7500  }
0x11c: {  	[tilespmem:s7], [sflag:$0x1] =	stream.linear.gather [spmem:s11], $0x80, $0x38;
	[tilespmem:$0x9F80] =	vst v63  }
0x11d: {  	_ =	swait.ge [sflag:s30], $0x280  }
0x11e: {  	[sflag:s30] =	ssyncset.done $0x0  }
0x11f: {  	s6 =	simm.s32 $0x6580;
	s4 =	rddreg [dreg:$0x12];
	[sflag:s30] =	ssyncadd.s32 $0xFFFFFD80  }
0x120: {  	[tilespmem:s6], [sflag:$0x1] =	stream.linear.gather [spmem:s4], $0x80, $0x38;
	[tilespmem:$0x9F80] =	vst v63  }
0x121: {  	s7 =	simm.s32 $0x6980  }
0x122: {  	[tilespmem:s7], [sflag:$0x1] =	stream.linear.gather [spmem:s12], $0x80, $0x38;
	[tilespmem:$0x9F80] =	vst v63  }
0x123: {  	s4 =	simm.s32 $0x6D80  }
0x124: {  	[tilespmem:s4], [sflag:$0x1] =	stream.linear.gather [spmem:s13], $0x80, $0x38;
	[tilespmem:$0x9F80] =	vst v63  }
0x125: {  	s6 =	simm.s32 $0x7180  }
0x126: {  	[tilespmem:s6], [sflag:$0x1] =	stream.linear.gather [spmem:s14], $0x80, $0x38;
	[tilespmem:$0x9F80] =	vst v63  }
0x127: {  	s7 =	simm.s32 $0x7580  }
0x128: {  	[tilespmem:s7], [sflag:$0x1] =	stream.linear.gather [spmem:s15], $0x80, $0x38;
	[tilespmem:$0x9F80] =	vst v63  }
0x129: {  	_ =	swait.ge [sflag:s30], $0x280  }
0x12a: {  	[sflag:s30] =	ssyncset.done $0x0  }
0x12b: {  	s6 =	simm.s32 $0x6600;
	s4 =	rddreg [dreg:$0x13];
	[sflag:s30] =	ssyncadd.s32 $0xFFFFFD80  }
0x12c: {  	[tilespmem:s6], [sflag:$0x1] =	stream.linear.gather [spmem:s4], $0x80, $0x38;
	[tilespmem:$0x9F80] =	vst v63  }
0x12d: {  	s7 =	simm.s32 $0x6A00  }
0x12e: {  	[tilespmem:s7], [sflag:$0x1] =	stream.linear.gather [spmem:s16], $0x80, $0x38;
	[tilespmem:$0x9F80] =	vst v63  }
0x12f: {  	s4 =	simm.s32 $0x6E00  }
0x130: {  	[tilespmem:s4], [sflag:$0x1] =	stream.linear.gather [spmem:s17], $0x80, $0x38;
	[tilespmem:$0x9F80] =	vst v63  }
0x131: {  	s6 =	simm.s32 $0x7200  }
0x132: {  	[tilespmem:s6], [sflag:$0x1] =	stream.linear.gather [spmem:s18], $0x80, $0x38;
	[tilespmem:$0x9F80] =	vst v63  }
0x133: {  	s7 =	simm.s32 $0x7600  }
0x134: {  	[tilespmem:s7], [sflag:$0x1] =	stream.linear.gather [spmem:s19], $0x80, $0x38;
	[tilespmem:$0x9F80] =	vst v63  }
0x135: {  	_ =	swait.ge [sflag:s30], $0x280  }
0x136: {  	[sflag:s30] =	ssyncset.done $0x0  }
0x137: {  	s6 =	simm.s32 $0x6680;
	s4 =	rddreg [dreg:$0x14];
	[sflag:s30] =	ssyncadd.s32 $0xFFFFFD80  }
0x138: {  	[tilespmem:s6], [sflag:$0x1] =	stream.linear.gather [spmem:s4], $0x80, $0x38;
	[tilespmem:$0x9F80] =	vst v63  }
0x139: {  	s7 =	simm.s32 $0x6A80  }
0x13a: {  	[tilespmem:s7], [sflag:$0x1] =	stream.linear.gather [spmem:s20], $0x80, $0x38;
	[tilespmem:$0x9F80] =	vst v63  }
0x13b: {  	s4 =	simm.s32 $0x6E80  }
0x13c: {  	[tilespmem:s4], [sflag:$0x1] =	stream.linear.gather [spmem:s21], $0x80, $0x38;
	[tilespmem:$0x9F80] =	vst v63  }
0x13d: {  	s6 =	simm.s32 $0x7280  }
0x13e: {  	[tilespmem:s6], [sflag:$0x1] =	stream.linear.gather [spmem:s22], $0x80, $0x38;
	[tilespmem:$0x9F80] =	vst v63  }
0x13f: {  	s7 =	simm.s32 $0x7680  }
0x140: {  	[tilespmem:s7], [sflag:$0x1] =	stream.linear.gather [spmem:s23], $0x80, $0x38;
	[tilespmem:$0x9F80] =	vst v63  }
0x141: {  	_ =	swait.ge [sflag:s30], $0x280  }
0x142: {  	[sflag:s30] =	ssyncset.done $0x0  }
0x143: {  	s6 =	simm.s32 $0x6700;
	s4 =	rddreg [dreg:$0x15];
	[sflag:s30] =	ssyncadd.s32 $0xFFFFFD80  }
0x144: {  	[tilespmem:s6], [sflag:$0x1] =	stream.linear.gather [spmem:s4], $0x80, $0x38;
	[tilespmem:$0x9F80] =	vst v63  }
0x145: {  	s7 =	simm.s32 $0x6B00  }
0x146: {  	[tilespmem:s7], [sflag:$0x1] =	stream.linear.gather [spmem:s24], $0x80, $0x38;
	[tilespmem:$0x9F80] =	vst v63  }
0x147: {  	s4 =	simm.s32 $0x6F00  }
0x148: {  	[tilespmem:s4], [sflag:$0x1] =	stream.linear.gather [spmem:s25], $0x80, $0x38;
	[tilespmem:$0x9F80] =	vst v63  }
0x149: {  	s6 =	simm.s32 $0x7300  }
0x14a: {  	[tilespmem:s6], [sflag:$0x1] =	stream.linear.gather [spmem:s26], $0x80, $0x38;
	[tilespmem:$0x9F80] =	vst v63  }
0x14b: {  	s7 =	simm.s32 $0x7700  }
0x14c: {  	[tilespmem:s7], [sflag:$0x1] =	stream.linear.gather [spmem:s28], $0x80, $0x38;
	[tilespmem:$0x9F80] =	vst v63  }
0x14d: {  	s4 =	simm.s32 $0x0;
	_ =	swait.ge [sflag:s30], $0x280  }
0x14e: {  	s3 =	sand.u32 $0x1C00, s4;
	s6 =	sand.u32 $0x70, s4;
	[sflag:s30] =	ssyncset.done $0x0  }
0x14f: {  	s3 =	sor.u32 s6, s3;
	[sflag:s30] =	ssyncadd.s32 $0xFFFFFD80  }
0x150: {  	v1 =	vld [tilespmem:s3+$0x5000]  }
0x151: {  	v2 =	vld [tilespmem:s3+$0x4F80];
	_ =	sdelay $0x1  }
0x152: {  	v3 =	vld [tilespmem:s3+$0x5080];
	_ =	sdelay $0x1  }
0x153: {  	v4 =	vld [tilespmem:s3+$0x5100]  }
0x154: {  	v1 =	vadd.f32 v1, v2  }
0x155: {  	v2 =	vld [tilespmem:s3+$0x5180]  }
0x156: {  	v1 =	vadd.f32 v3, v1  }
0x157: {  	v3 =	vld [tilespmem:s3+$0x5200]  }
0x158: {  	v1 =	vadd.f32 v4, v1  }
0x159: {  	v60 =	vld [tilespmem:s3+$0x5280]  }
0x15a: {  	v1 =	vadd.f32 v2, v1  }
0x15b: {  	v2 =	vld [tilespmem:s3+$0x5300]  }
0x15c: {  	v1 =	vadd.f32 v3, v1  }
0x15d: {  	v3 =	vld [tilespmem:s3+$0x6380]  }
0x15e: {  	v1 =	vadd.f32 v60, v1  }
0x15f: {  	v61 =	vld [tilespmem:s3+$0x6400]  }
0x160: {  	v1 =	vadd.f32 v2, v1  }
0x161: {  	v2 =	vld [tilespmem:s3+$0x6480]  }
0x162: {  	v1 =	vadd.f32 v3, v1  }
0x163: {  	v3 =	vld [tilespmem:s3+$0x6500]  }
0x164: {  	v1 =	vadd.f32 v61, v1  }
0x165: {  	v62 =	vld [tilespmem:s3+$0x6580]  }
0x166: {  	v1 =	vadd.f32 v2, v1  }
0x167: {  	v2 =	vld [tilespmem:s3+$0x6600]  }
0x168: {  	v1 =	vadd.f32 v3, v1  }
0x169: {  	v3 =	vld [tilespmem:s3+$0x6680]  }
0x16a: {  	v1 =	vadd.f32 v62, v1  }
0x16b: {  	v63 =	vld [tilespmem:s3+$0x6700]  }
0x16c: {  	v1 =	vadd.f32 v2, v1;
	_ =	sdelay $0x1  }
0x16d: {  	v1 =	vadd.f32 v3, v1;
	_ =	sdelay $0x1  }
0x16e: {  	s4 =	simm.s32 $0x80;
	s7 =	simm.s32 $0x10;
	v1 =	vadd.f32 v63, v1  }
0x16f: {  	s6 =	sand.u32 $0x1C00, s4;
	s3 =	sand.u32 $0x70, s7  }
0x170: {  	s3 =	sor.u32 s3, s6;
	s6 =	simm.s32 $0x20;
	[tilespmem:s2+$0x0] =	vst v1  }
.LBB2_4:
0x171: {  	p0 =	sne.s32 s6, $0x270;
	v1 =	vld [tilespmem:s3+$0x5000]  }
0x172: {  	v2 =	vld [tilespmem:s3+$0x4F80];
	_ =	sdelay $0x1  }
0x173: {  	v3 =	vld [tilespmem:s3+$0x5080];
	_ =	sdelay $0x1  }
0x174: {  	v4 =	vld [tilespmem:s3+$0x5100]  }
0x175: {  	v1 =	vadd.f32 v1, v2  }
0x176: {  	v2 =	vld [tilespmem:s3+$0x5180]  }
0x177: {  	v1 =	vadd.f32 v3, v1  }
0x178: {  	v3 =	vld [tilespmem:s3+$0x5200]  }
0x179: {  	v1 =	vadd.f32 v4, v1  }
0x17a: {  	v4 =	vld [tilespmem:s3+$0x5280]  }
0x17b: {  	v1 =	vadd.f32 v2, v1  }
0x17c: {  	v2 =	vld [tilespmem:s3+$0x5300]  }
0x17d: {  	v1 =	vadd.f32 v3, v1  }
0x17e: {  	v3 =	vld [tilespmem:s3+$0x6380]  }
0x17f: {  	v1 =	vadd.f32 v4, v1  }
0x180: {  	v4 =	vld [tilespmem:s3+$0x6400]  }
0x181: {  	v1 =	vadd.f32 v2, v1  }
0x182: {  	v2 =	vld [tilespmem:s3+$0x6480]  }
0x183: {  	v1 =	vadd.f32 v3, v1  }
0x184: {  	v3 =	vld [tilespmem:s3+$0x6500]  }
0x185: {  	v1 =	vadd.f32 v4, v1  }
0x186: {  	v4 =	vld [tilespmem:s3+$0x6580]  }
0x187: {  	v1 =	vadd.f32 v2, v1  }
0x188: {  	v2 =	vld [tilespmem:s3+$0x6600]  }
0x189: {  	v1 =	vadd.f32 v3, v1  }
0x18a: {  	v3 =	vld [tilespmem:s3+$0x6680]  }
0x18b: {  	v1 =	vadd.f32 v4, v1  }
0x18c: {  	v4 =	vld [tilespmem:s3+$0x6700]  }
0x18d: {  	v1 =	vadd.f32 v2, v1;
	_ =	sdelay $0x1  }
.Ltmp1:
0x18e: {  	v1 =	vadd.f32 v3, v1;
	(pc) =	sbr.rel @p0 .LBB2_4-.Ltmp1, $4  }
0x18f: {  	_ = 	snop  }
0x190: {  	s4 =	sadd.s32 $0x80, s4;
	v1 =	vadd.f32 v4, v1  }
0x191: {  	s2 =	sadd.s32 $0x10, s2;
	s7 =	sand.u32 $0x1C00, s4;
	s3 =	sand.u32 $0x70, s6  }
0x192: {  	s6 =	sadd.s32 $0x10, s6;
	s3 =	sor.u32 s3, s7;
	[tilespmem:s2+$0x0] =	vst v1  }
0x193: {  	v1 =	vld [tilespmem:s3+$0x5000]  }
0x194: {  	v2 =	vld [tilespmem:s3+$0x4F80];
	_ =	sdelay $0x1  }
0x195: {  	v3 =	vld [tilespmem:s3+$0x5080];
	_ =	sdelay $0x1  }
0x196: {  	v4 =	vld [tilespmem:s3+$0x5100]  }
0x197: {  	v1 =	vadd.f32 v1, v2  }
0x198: {  	v2 =	vld [tilespmem:s3+$0x5180]  }
0x199: {  	v1 =	vadd.f32 v3, v1  }
0x19a: {  	v3 =	vld [tilespmem:s3+$0x5200]  }
0x19b: {  	v1 =	vadd.f32 v4, v1  }
0x19c: {  	v60 =	vld [tilespmem:s3+$0x5280]  }
0x19d: {  	v1 =	vadd.f32 v2, v1  }
0x19e: {  	v2 =	vld [tilespmem:s3+$0x5300]  }
0x19f: {  	v1 =	vadd.f32 v3, v1  }
0x1a0: {  	v3 =	vld [tilespmem:s3+$0x6380]  }
0x1a1: {  	v1 =	vadd.f32 v60, v1  }
0x1a2: {  	v61 =	vld [tilespmem:s3+$0x6400]  }
0x1a3: {  	v1 =	vadd.f32 v2, v1  }
0x1a4: {  	v2 =	vld [tilespmem:s3+$0x6480]  }
0x1a5: {  	v1 =	vadd.f32 v3, v1  }
0x1a6: {  	v3 =	vld [tilespmem:s3+$0x6500]  }
0x1a7: {  	v1 =	vadd.f32 v61, v1  }
0x1a8: {  	v62 =	vld [tilespmem:s3+$0x6580]  }
0x1a9: {  	v1 =	vadd.f32 v2, v1  }
0x1aa: {  	v2 =	vld [tilespmem:s3+$0x6600]  }
0x1ab: {  	v1 =	vadd.f32 v3, v1  }
0x1ac: {  	v3 =	vld [tilespmem:s3+$0x6680]  }
0x1ad: {  	v1 =	vadd.f32 v62, v1  }
0x1ae: {  	v63 =	vld [tilespmem:s3+$0x6700]  }
0x1af: {  	v1 =	vadd.f32 v2, v1;
	_ =	sdelay $0x1  }
0x1b0: {  	v1 =	vadd.f32 v3, v1;
	_ =	sdelay $0x1  }
0x1b1: {  	v1 =	vadd.f32 v63, v1  }
0x1b2: {  	s2 =	sadd.s32 $0x10, s2  }
0x1b3: {  	s4 =	rddreg [dreg:$0x16];
	s6 =	simm.s32 $0x100;
	[tilespmem:s2+$0x0] =	vst v1  }
0x1b4: {  	[hbm4b:s4+s31] =	stream.strided.scatter [tilespmem:s29], [sflag:$0x1], $0x280, s6, s31, $0x38;
	[tilespmem:$0x9F80] =	vst v63  }
0x1b5: {  	_ =	swait.ge [sflag:s30], $0x280  }
0x1b6: {  	s1 =	sadd.s32 $0x1, s1;
	s7 =	rddreg [dreg:$0x17]  }
0x1b7: {  	p0 =	sne.s32 s1, s7  }
.Ltmp2:
0x1b8: {  	_ = 	snop;
	(pc) =	sbr.rel @p0 .LBB2_1-.Ltmp2, $3  }
0x1b9: {  	_ =	sdelay $0x1  }
0x1ba: {  	[sflag:s30] =	ssyncset.done $0x0  }
0x1bb: {  	[sflag:s30] =	ssyncadd.s32 $0xFFFFFD80  }
0x1bc: {  	_ =	sfence.sel $0x180000  }
0x1bd: {  	[bflag:$0x0] =	sbarrier.arrive $0xFFFF  }
0x1be: {  	_ =	strace $0x90000047  }
0x1bf: {  	s0 =	stileid.u32;
	[bflag:$0x2] =	sbarrier.arrive $0xFFFF  }
0x1c0: {  	p0 =	sne.s32 s0, $0x0;
	s0 =	rddreg [dreg:$0x3]  }
0x1c1: {  	s0 =	sadd.s32 @!p0 $0x100000, s0  }
0x1c2: {  	[sflag:s0] =	ssyncadd.tile.s32 @!p0 $0x1;
	_ =	shalt  }
.Lfunc_end2:
_tile_overlayer_lowered:
.L_overlay_start_2:
0x1c3: {  	(tag) =	ssettag $0x2  }
0x1c4: {  	s0 =	rddreg [dreg:$0x0];
	s2 =	stileid.u32  }
0x1c5: {  	s1 =	rddreg [dreg:$0x1];
	p0 =	sne.s32 s2, $0x0  }
0x1c6: {  	s3 =	rddreg [dreg:$0x2];
	[bflag:$0x3] =	sbarrier.arrive $0xFFFF;
	s2 =	simm.s32 @!p0 $0x1C01  }
0x1c7: {  	[timem:s3], [sflag:s2] =	dma.local @!p0 [hbm:s0], s1  }
0x1c8: {  	s0 =	simm.s32 @!p0 $0x1  }
0x1c9: {  	_ =	swait.ge @!p0 [sflag:s0], s1  }
0x1ca: {  	s1 =	ssub.s32 @!p0 $0x0, s1;
	[sflag:s0] =	ssyncset.done @!p0 $0x0  }
0x1cb: {  	[sflag:s0] =	ssyncadd.s32 @!p0 s1  }
0x1cc: {  	[bflag:$0x3] =	sbarrier.arrive $0xFFFF  }
0x1cd: {  	_ =	shalt  }

// kernel: kernel.9.cloned.1.call-start
scs
__scs_entry_jumppad:
0x0: {  	(pc) =	sbr.rel $0x88, $3  }
0x1: {  	(tag) =	ssettag $0x0;
	lr =	simm.s32 $0x1  }
0x2: {  	[smem:$0x3F9D] =	sst lr;
	_ =	strace $0xD0000000  }
0x3: {  	_ = 	snop  }
0x4: {  	_ = 	snop  }
0x5: {  	_ = 	snop  }
0x6: {  	_ = 	snop  }
0x7: {  	_ = 	snop  }
__scs_overlays_trampoline_lowered:
0x8: {  	[smem:$0x3FAC] =	sst s0  }
0x9: {  	[smem:$0x3FAD] =	sst s1  }
0xa: {  	[smem:$0x3FAE] =	sst s2  }
0xb: {  	[smem:$0x3FAF] =	sst s3  }
0xc: {  	[smem:$0x3FB0] =	sst s4  }
0xd: {  	[smem:$0x3FB1] =	sst s5  }
0xe: {  	[smem:$0x3FB2] =	sst s6  }
0xf: {  	[smem:$0x3FB3] =	sst s7  }
0x10: {  	[smem:$0x3FB4] =	sst s8  }
0x11: {  	[smem:$0x3FB5] =	sst s9;
	s0 =	simm.s32 @!p0 $0x0  }
0x12: {  	s1 =	sld [smem:$0x3F9B];
	s0 =	simm.s32 @p0 $0x1  }
0x13: {  	[smem:$0x3FB6] =	sst s0;
	s0 =	simm.s32 @!p1 $0x0  }
0x14: {  	s2 =	sld [smem:$0x3F9A];
	s0 =	simm.s32 @p1 $0x1  }
0x15: {  	[smem:$0x3FB7] =	sst s0;
	s0 =	simm.s32 @!p2 $0x0  }
0x16: {  	s3 =	sld [smem:$0x3FDB];
	s0 =	simm.s32 @p2 $0x1  }
0x17: {  	s4 =	simm.s32 $0x1BF5;
	[smem:$0x3FB9] =	sst s0  }
0x18: {  	s0 =	sld [smem:$0x3F9C];
	_ =	swait.ge [sflag:s4], $0x0  }
0x19: {  	s7 =	sld [smem:$0x3F9D]  }
0x1a: {  	s8 =	sadd.s32 $0xFFFFE003, lr  }
0x1b: {  	s9 =	sadd.s32 $0xFFFFFEF7, lr;
	s5 =	simm.s32 $0xFFFFFFFF;
	p2 =	slt.u32 s8, $0xFFFFF086  }
0x1c: {  	p1 =	slt.u32 s9, $0xF7A;
	s5 =	simm.s32 @!p2 $0x0  }
0x1d: {  	s5 =	simm.s32 @p1 $0x1;
	p0 =	seq.s32 s7, s2  }
0x1e: {  	s7 =	smul.u32 @!p0 $0xF7A, s2;
	p2 =	seq.s32 @!p0 s5, $0x0  }
0x1f: {  	s9 =	smul.u32 $0xF7A, s1;
	s8 =	simm.s32 @!p0 $0x1BF5;
	p2 =	por !p2, p0  }
0x20: {  	[sflag:s8] =	ssyncset.s32 @!p0 $0xFFFFF086;
	s6 =	sadd.s32 @!p0 s3, s7;
	s7 =	simm.s32 @!p0 $0x108  }
0x21: {  	s3 =	sadd.s32 s3, s9;
	s6 =	sadd.s32 @!p0 $0x88, s6;
	s7 =	simm.s32 @p2 $0x1082  }
0x22: {  	[simem:s7], [sflag:s8] =	dma.local @!p0 [hbm:s6], $0xF7A  }
0x23: {  	s9 =	sor.u32 $0xD0000000, s2;
	s6 =	simm.s32 $0x108;
	_ =	swait.ge @!p0 [sflag:s8], $0x0  }
0x24: {  	s3 =	sadd.s32 $0x88, s3;
	s6 =	simm.s32 @!p1 $0x1082;
	[sflag:s4] =	ssyncset.s32 $0xFFFFF086  }
0x25: {  	[simem:s6], [sflag:s4] =	dma.local [hbm:s3], $0xF7A  }
0x26: {  	[smem:$0x3F9D] =	sst s1;
	(tag) =	ssettag s2;
	_ =	strace s9  }
0x27: {  	s1 =	sld [smem:$0x3FAD]  }
0x28: {  	s2 =	sld [smem:$0x3FAE]  }
0x29: {  	s4 =	sld [smem:$0x3FB0]  }
0x2a: {  	p0 =	seq.s32 s5, $0x0;
	s5 =	sld [smem:$0x3FB1]  }
0x2b: {  	s6 =	sld [smem:$0x3FB2]  }
0x2c: {  	s7 =	sld [smem:$0x3FB3]  }
0x2d: {  	s3 =	simm.s32 $0x108;
	s8 =	sld [smem:$0x3FB4]  }
0x2e: {  	s3 =	simm.s32 @!p0 $0x1082;
	s9 =	sld [smem:$0x3FB5]  }
0x2f: {  	lr =	sadd.s32 s0, s3;
	s0 =	sld [smem:$0x3FAC]  }
0x30: {  	s3 =	sld [smem:$0x3FAF]  }
0x31: {  	[smem:$0x3FB8] =	sst s10  }
0x32: {  	s10 =	sld [smem:$0x3FB6];
	_ =	sdelay $0x3  }
0x33: {  	p0 =	seq.s32 s10, $0x1;
	s10 =	sld [smem:$0x3FB8];
	_ =	sdelay $0x3  }
0x34: {  	[smem:$0x3FB8] =	sst s10  }
0x35: {  	s10 =	sld [smem:$0x3FB7];
	_ =	sdelay $0x3  }
0x36: {  	p1 =	seq.s32 s10, $0x1;
	s10 =	sld [smem:$0x3FB8];
	_ =	sdelay $0x3  }
0x37: {  	[smem:$0x3FB8] =	sst s10  }
0x38: {  	s10 =	sld [smem:$0x3FB9]  }
0x39: {  	_ = 	snop;
	(pc) =	sbr.ind lr, $3  }
0x3a: {  	_ = 	snop  }
0x3b: {  	_ = 	snop  }
0x3c: {  	p2 =	seq.s32 s10, $0x1;
	s10 =	sld [smem:$0x3FB8]  }
0x3d: {  	_ =	shalt  }
0x3e: {  	_ =	shalt  }
0x3f: {  	_ =	shalt  }
0x40: {  	_ =	shalt  }
0x41: {  	_ =	shalt  }
0x42: {  	_ =	shalt  }
0x43: {  	_ =	shalt  }
0x44: {  	_ =	shalt  }
0x45: {  	_ =	shalt  }
0x46: {  	_ =	shalt  }
0x47: {  	_ =	shalt  }
0x48: {  	_ =	shalt  }
0x49: {  	_ =	shalt  }
0x4a: {  	_ =	shalt  }
0x4b: {  	_ =	shalt  }
0x4c: {  	_ =	shalt  }
0x4d: {  	_ =	shalt  }
0x4e: {  	_ =	shalt  }
0x4f: {  	_ =	shalt  }
0x50: {  	_ =	shalt  }
0x51: {  	_ =	shalt  }
0x52: {  	_ =	shalt  }
0x53: {  	_ =	shalt  }
0x54: {  	_ =	shalt  }
0x55: {  	_ =	shalt  }
0x56: {  	_ =	shalt  }
0x57: {  	_ =	shalt  }
0x58: {  	_ =	shalt  }
0x59: {  	_ =	shalt  }
0x5a: {  	_ =	shalt  }
0x5b: {  	_ =	shalt  }
0x5c: {  	_ =	shalt  }
0x5d: {  	_ =	shalt  }
0x5e: {  	_ =	shalt  }
0x5f: {  	_ =	shalt  }
0x60: {  	_ =	shalt  }
0x61: {  	_ =	shalt  }
0x62: {  	_ =	shalt  }
0x63: {  	_ =	shalt  }
0x64: {  	_ =	shalt  }
0x65: {  	_ =	shalt  }
0x66: {  	_ =	shalt  }
0x67: {  	_ =	shalt  }
0x68: {  	_ =	shalt  }
0x69: {  	_ =	shalt  }
0x6a: {  	_ =	shalt  }
0x6b: {  	_ =	shalt  }
0x6c: {  	_ =	shalt  }
0x6d: {  	_ =	shalt  }
0x6e: {  	_ =	shalt  }
0x6f: {  	_ =	shalt  }
0x70: {  	_ =	shalt  }
0x71: {  	_ =	shalt  }
0x72: {  	_ =	shalt  }
0x73: {  	_ =	shalt  }
0x74: {  	_ =	shalt  }
0x75: {  	_ =	shalt  }
0x76: {  	_ =	shalt  }
0x77: {  	_ =	shalt  }
0x78: {  	_ =	shalt  }
0x79: {  	_ =	shalt  }
0x7a: {  	_ =	shalt  }
0x7b: {  	_ =	shalt  }
0x7c: {  	_ =	shalt  }
0x7d: {  	_ =	shalt  }
0x7e: {  	_ =	shalt  }
0x7f: {  	_ =	shalt  }
0x80: {  	_ =	shalt  }
0x81: {  	_ =	shalt  }
0x82: {  	_ =	shalt  }
0x83: {  	_ =	shalt  }
0x84: {  	_ =	shalt  }
0x85: {  	_ =	shalt  }
0x86: {  	_ =	shalt  }
0x87: {  	_ =	shalt  }
.Lfunc_end0:
.L_simem_size_0:
called_computation.1_lowered:
.L_overlay_start_0:
0x88: {  	s2 =	sld [smem:$0x3FD9]  }
0x89: {  	s3 =	sld [smem:$0x3FFE];
	_ =	sdelay $0x1  }
0x8a: {  	s1 =	srdreg.scid  }
0x8b: {  	s0 =	sand.u32 $0x1, s1  }
0x8c: {  	s17 =	sshll.u32 s0, $0xA;
	s2 =	sadd.s32 s3, s2  }
0x8d: {  	s2 =	sadd.s32 s2, s17  }
0x8e: {  	[smem:$0x3FC4] =	sst s2  }
0x8f: {  	_ = 	snop  }
0x90: {  	s2 =	sld [smem:$0x3FD0];
	(tm) =	ssettm $0x1  }
0x91: {  	s18 =	sld [smem:$0x3FFB];
	_ =	sdelay $0x3  }
0x92: {  	_ =	strace s18  }
0x93: {  	s3 =	sld [smem:$0x3FFC];
	_ =	sdelay $0x3  }
0x94: {  	_ =	strace s3  }
0x95: {  	s3 =	sld [smem:$0x3FFD];
	_ =	sdelay $0x3  }
0x96: {  	_ =	strace s3  }
0x97: {  	_ =	strace $0x8FFFFFFF  }
0x98: {  	s19 =	sld [smem:$0x3FDB];
	_ =	sdelay $0x1  }
0x99: {  	s4 =	simm.s32 $_scs_section_size  }
0x9a: {  	s5 =	simm.s32 $_size__tile_overlayer_lowered;
	s6 =	simm.s32 $_tile_overlayer_lowered  }
0x9b: {  	s22 =	simm.s32 $0x1BFF;
	s21 =	sshll.u32 s6, $0x1;
	s3 =	sadd.s32 s4, s19  }
0x9c: {  	s7 =	simm.s32 $0x0;
	s20 =	sshll.u32 s5, $0x1;
	s5 =	sadd.s32 s21, s3  }
0x9d: {  	[timem:s7], [sflag:s22] =	dma.local [hbm:s5], s20  }
0x9e: {  	_ =	swait.ge [sflag:s22], s20  }
0x9f: {  	s4 =	ssub.s32 $0x0, s20;
	[sflag:s22] =	ssyncset.done $0x0  }
0xa0: {  	[sflag:s22] =	ssyncadd.s32 s4;
	_ =	sdelay $0x1  }
0xa1: {  	s23 =	simm.s32 $0x1B8B  }
0xa2: {  	_ =	swait.ge [sflag:s23], $0x1  }
0xa3: {  	[sflag:s23] =	ssyncset.done $0x0  }
0xa4: {  	s25 =	simm.s32 $0x1B8E;
	s24 =	sld [smem:$0x3FFE];
	[sflag:s23] =	ssyncadd.s32 $0xFFFFFFFF  }
0xa5: {  	s26 =	simm.s32 $execute0_lowered;
	[smem:$0x3FD2] =	sst s25  }
0xa6: {  	s5 =	sshll.u32 s26, $0x1;
	_ =	strace $0x80000049;
	[dreg:$0x1] =	wrdreg $0xFFFFFFFF  }
0xa7: {  	s28 =	simm.s32 $_size_execute0_lowered;
	s3 =	sadd.s32 s3, s5;
	[dreg:$0x0] =	wrdreg $0x0  }
0xa8: {  	s5 =	sshll.u32 s28, $0x1;
	[dreg:$0x2] =	wrdreg s3  }
0xa9: {  	[dreg:$0x3] =	wrdreg s5  }
0xaa: {  	[dreg:$0x4] =	wrdreg $0xC0  }
0xab: {  	_ =	task [dreg:s7], $0x5FFFF  }
0xac: {  	[dreg:$0x1] =	wrdreg $0xFFFFFFFF  }
0xad: {  	[dreg:$0x0] =	wrdreg $0x60  }
0xae: {  	[dreg:$0x2] =	wrdreg s2  }
0xaf: {  	[dreg:$0x3] =	wrdreg s24  }
0xb0: {  	[dreg:$0x4] =	wrdreg $0x92000  }
0xb1: {  	[dreg:$0x5] =	wrdreg $0x9  }
0xb2: {  	_ =	task.clear_ibuf [dreg:s7], $0x6FFFF;
	_ =	strace $0x90000049  }
0xb3: {  	s29 =	simm.s32 $0x9;
	_ =	strace $0x8000004B  }
0xb4: {  	_ =	swait.ge [sflag:s29], $0x1  }
0xb5: {  	[sflag:s29] =	ssyncadd.s32 $0xFFFFFFFF  }
0xb6: {  	_ =	strace $0x9000004B  }
0xb7: {  	_ =	sfence  }
0xb8: {  	s30 =	sld [smem:$0x0];
	_ =	sdelay $0x2  }
0xb9: {  	s31 =	sshll.u32 s1, $0xD;
	s1 =	sshrl.u32 s1, $0x2  }
0xba: {  	s3 =	sand.u32 $0x4000, s31;
	s1 =	sadd.s32 s1, s30  }
0xbb: {  	s0 =	sor.u32 s3, s0;
	s1 =	sshll.u32 s1, $0x11  }
0xbc: {  	s0 =	sor.u32 s1, s0  }
0xbd: {  	s0 =	sadd.s32 $0x8F2B, s0  }
0xbe: {  	[sflag:s0] =	ssyncadd.remote.s32 $0x1  }
0xbf: {  	_ =	sfence.sel $0xFFFF  }
0xc0: {  	[dreg:$0x0] =	wrdreg $0xFFFFFFFF;
	(pc) =	sbr.abs _section_cstart, $3  }
0xc1: {  	[dreg:$0x1] =	wrdreg $0xFFFFFFFF  }
0xc2: {  	_ =	task.clear_ibuf [dreg:s7], $0x2FFFF;
	_ =	strace $0x9FFFFFFF  }
0xc3: {  	(tm) =	ssettm $0x7FFFFFFF  }
tec
execute0_lowered:
.L_overlay_start_1:
0x0: {  	(tag) =	ssettag $0x1  }
0x1: {  	s0 =	rddreg [dreg:$0x0]  }
0x2: {  	s6 =	rddreg [dreg:$0x1];
	s1 =	srdreg.scid  }
0x3: {  	s3 =	rddreg [dreg:$0x2];
	s2 =	stileid.u32;
	s4 =	simm.s32 $0x0  }
0x4: {  	s17 =	simm.s32 $0x4000;
	s18 =	simm.s32 $0x4200;
	s19 =	simm.s32 $0x4100  }
0x5: {  	s20 =	simm.s32 $0x6A00;
	s21 =	simm.s32 $0x1;
	s22 =	simm.s32 $0x4080  }
0x6: {  	s23 =	simm.s32 $0x2;
	s24 =	simm.s32 $0x4180;
	s25 =	simm.s32 $0x0  }
0x7: {  	s7 =	sand.u32 $0x1, s1;
	s1 =	rddreg [dreg:$0x3];
	s8 =	smul.u32 $0x14000, s2  }
0x8: {  	[smem:$0x7FF] =	sst s4;
	s9 =	sshll.u32 s2, $0xB;
	s11 =	smul.u32 $0x50000, s2  }
0x9: {  	s31 =	sshll.u32 s2, $0x6;
	s5 =	smul.u32 $0x140000, s7;
	_ =	strace $0x8000004A  }
0xa: {  	s9 =	sadd.s32 s9, s6;
	s10 =	ssub.s32 $0x2, s7;
	s7 =	sshll.u32 s7, $0xF  }
0xb: {  	s29 =	sshrl.u32 s10, $0x1;
	s30 =	sshrl.u32 s11, $0x2;
	s7 =	sadd.s32 s7, s9  }
0xc: {  	s11 =	simm.s32 $0x3;
	s5 =	sadd.s32 s8, s5;
	s10 =	ssub.s32 s10, s29  }
0xd: {  	s12 =	sadd.s32 s30, s3;
	s7 =	sadd.s32 $0x2400, s7;
	s8 =	sshrl.u32 s5, $0x3  }
0xe: {  	s5 =	sadd.s32 $0x1400, s6;
	s13 =	sadd.s32 $0x4000, s12;
	s14 =	sadd.s32 $0x8000, s12  }
0xf: {  	s15 =	sadd.s32 $0xC000, s12;
	s16 =	sadd.s32 $0x10000, s12;
	s9 =	smax.u32 s10, $0x1  }
0x10: {  	s10 =	sshrl.u32 s12, $0x3;
	s8 =	sadd.s32 s8, s6;
	s6 =	sor.u32 $0x1C03, s31  }
0x11: {  	s12 =	sshrl.u32 s13, $0x3;
	s13 =	sshrl.u32 s14, $0x3;
	s14 =	sshrl.u32 s15, $0x3  }
0x12: {  	s15 =	sshrl.u32 s16, $0x3;
	s16 =	simm.s32 $0x50;
	s8 =	sadd.s32 $0x62400, s8  }
.LBB2_1:
0x13: {  	[spmem:s10], [sflag:s6] =	dma.local [hbm:s5], $0x800  }
0x14: {  	_ =	swait.ge [sflag:s11], $0x800  }
0x15: {  	[sflag:s11] =	ssyncset.done $0x0  }
0x16: {  	[sflag:s11] =	ssyncadd.s32 $0xFFFFF800  }
0x17: {  	[spmem:s12], [sflag:s6] =	dma.local [hbm:s5], $0x800  }
0x18: {  	_ =	swait.ge [sflag:s11], $0x800  }
0x19: {  	[sflag:s11] =	ssyncset.done $0x0  }
0x1a: {  	[sflag:s11] =	ssyncadd.s32 $0xFFFFF800  }
0x1b: {  	[spmem:s13], [sflag:s6] =	dma.local [hbm:s5], $0x800  }
0x1c: {  	_ =	swait.ge [sflag:s11], $0x800  }
0x1d: {  	[sflag:s11] =	ssyncset.done $0x0  }
0x1e: {  	[sflag:s11] =	ssyncadd.s32 $0xFFFFF800  }
0x1f: {  	[spmem:s14], [sflag:s6] =	dma.local [hbm:s5], $0x800  }
0x20: {  	_ =	swait.ge [sflag:s11], $0x800  }
0x21: {  	[sflag:s11] =	ssyncset.done $0x0  }
0x22: {  	[sflag:s11] =	ssyncadd.s32 $0xFFFFF800  }
0x23: {  	[spmem:s15], [sflag:s6] =	dma.local [hbm:s5], $0x800  }
0x24: {  	_ =	swait.ge [sflag:s11], $0x800  }
0x25: {  	[sflag:s11] =	ssyncset.done $0x0  }
0x26: {  	[sflag:s11] =	ssyncadd.s32 $0xFFFFF800  }
0x27: {  	[tilespmem:s4], [sflag:$0x3] =	stream.linear.gather [hbm4b:s7+s4], $0x3E80, $0x38;
	[tilespmem:$0x1D200] =	vst v63  }
0x28: {  	_ =	swait.ge [sflag:s11], $0x3E80  }
0x29: {  	[sflag:s11] =	ssyncset.done $0x0  }
0x2a: {  	[sflag:s11] =	ssyncadd.s32 $0xFFFFC180  }
0x2b: {  	[bflag:$0x0] =	sbarrier.arrive $0xFFFF  }
0x2c: {  	v0 =	vld [tilespmem:$0x0];
	_ =	sdelay $0x1  }
0x2d: {  	v1 =	vld [tilespmem:$0x10];
	_ =	sdelay $0x1  }
0x2e: {  	v2 =	vld [tilespmem:$0x20]  }
0x2f: {  	v3 =	vshrl.u32 v0, $0x10  }
0x30: {  	v0 =	vand.u32 $0xFFFF, v0;
	[tilespmem:$0x4000] =	vst v3;
	v3 =	vld [tilespmem:$0x30]  }
0x31: {  	[tilespmem:$0x4080] =	vst v0;
	v0 =	vshrl.u32 v1, $0x10  }
0x32: {  	[tilespmem:$0x4010] =	vst v0;
	v0 =	vand.u32 $0xFFFF, v1;
	v1 =	vld [tilespmem:$0x40]  }
0x33: {  	[tilespmem:$0x4090] =	vst v0;
	v0 =	vshrl.u32 v2, $0x10  }
0x34: {  	[tilespmem:$0x4020] =	vst v0;
	v0 =	vand.u32 $0xFFFF, v2  }
0x35: {  	[tilespmem:$0x40A0] =	vst v0;
	v0 =	vshrl.u32 v3, $0x10  }
0x36: {  	[tilespmem:$0x4030] =	vst v0;
	v0 =	vand.u32 $0xFFFF, v3  }
0x37: {  	[tilespmem:$0x40B0] =	vst v0;
	v0 =	vshrl.u32 v1, $0x10  }
0x38: {  	[tilespmem:$0x4040] =	vst v0;
	v0 =	vand.u32 $0xFFFF, v1  }
0x39: {  	s28 =	simm.s32 $0x0;
	[tilespmem:$0x40C0] =	vst v0  }
0x3a: {  	[tilespmem:s18], [sflag:$0x1] =	stream.indirect.gather [hbm4b:s0+s16], $0x80, s17, s16, $0xb8;
	[tilespmem:$0x1D200] =	vst v63  }
0x3b: {  	v0 =	vld [tilespmem:s28+$0x80];
	_ =	sdelay $0x4  }
0x3c: {  	v1 =	vshrl.u32 v0, $0x10  }
0x3d: {  	v0 =	vand.u32 $0xFFFF, v0;
	[tilespmem:$0x4100] =	vst v1  }
0x3e: {  	[tilespmem:$0x4180] =	vst v0  }
0x3f: {  	v0 =	vld [tilespmem:s28+$0x90];
	_ =	sdelay $0x4  }
0x40: {  	v1 =	vshrl.u32 v0, $0x10  }
0x41: {  	v0 =	vand.u32 $0xFFFF, v0;
	[tilespmem:$0x4110] =	vst v1  }
0x42: {  	[tilespmem:$0x4190] =	vst v0  }
0x43: {  	v0 =	vld [tilespmem:s28+$0xA0];
	_ =	sdelay $0x4  }
0x44: {  	v1 =	vshrl.u32 v0, $0x10  }
0x45: {  	v0 =	vand.u32 $0xFFFF, v0;
	[tilespmem:$0x4120] =	vst v1  }
0x46: {  	[tilespmem:$0x41A0] =	vst v0  }
0x47: {  	v0 =	vld [tilespmem:s28+$0xB0];
	_ =	sdelay $0x4  }
0x48: {  	v1 =	vshrl.u32 v0, $0x10  }
0x49: {  	v0 =	vand.u32 $0xFFFF, v0;
	[tilespmem:$0x4130] =	vst v1  }
0x4a: {  	[tilespmem:$0x41B0] =	vst v0  }
0x4b: {  	v0 =	vld [tilespmem:s28+$0xC0];
	_ =	sdelay $0x4  }
0x4c: {  	v1 =	vshrl.u32 v0, $0x10  }
0x4d: {  	v0 =	vand.u32 $0xFFFF, v0;
	[tilespmem:$0x4140] =	vst v1  }
0x4e: {  	[tilespmem:$0x41C0] =	vst v0  }
0x4f: {  	[tilespmem:s20], [sflag:$0x2] =	stream.indirect.gather [hbm4b:s0+s16], $0x80, s19, s16, $0xb8;
	[tilespmem:$0x1D200] =	vst v63  }
0x50: {  	_ =	swait.ge [sflag:s21], $0x2800  }
0x51: {  	[sflag:s21] =	ssyncset.done $0x0  }
0x52: {  	[sflag:s21] =	ssyncadd.s32 $0xFFFFD800  }
0x53: {  	[spmem:s3] =	stream.indirect.scatter.add.f32 [tilespmem:s18], [sflag:$0x3], $0x80, s22, s16, $0xb8;
	[tilespmem:$0x1D200] =	vst v63  }
0x54: {  	_ =	swait.ge [sflag:s11], $0x2800  }
0x55: {  	[sflag:s11] =	ssyncset.done $0x0  }
0x56: {  	[sflag:s11] =	ssyncadd.s32 $0xFFFFD800  }
0x57: {  	v0 =	vld [tilespmem:s28+$0x100];
	_ =	sdelay $0x4  }
0x58: {  	v1 =	vshrl.u32 v0, $0x10  }
0x59: {  	v0 =	vand.u32 $0xFFFF, v0;
	[tilespmem:$0x4000] =	vst v1  }
0x5a: {  	[tilespmem:$0x4080] =	vst v0  }
0x5b: {  	v0 =	vld [tilespmem:s28+$0x110];
	_ =	sdelay $0x4  }
0x5c: {  	v1 =	vshrl.u32 v0, $0x10  }
0x5d: {  	v0 =	vand.u32 $0xFFFF, v0;
	[tilespmem:$0x4010] =	vst v1  }
0x5e: {  	[tilespmem:$0x4090] =	vst v0  }
0x5f: {  	v0 =	vld [tilespmem:s28+$0x120];
	_ =	sdelay $0x4  }
0x60: {  	v1 =	vshrl.u32 v0, $0x10  }
0x61: {  	v0 =	vand.u32 $0xFFFF, v0;
	[tilespmem:$0x4020] =	vst v1  }
0x62: {  	[tilespmem:$0x40A0] =	vst v0  }
0x63: {  	v0 =	vld [tilespmem:s28+$0x130];
	_ =	sdelay $0x4  }
0x64: {  	v1 =	vshrl.u32 v0, $0x10  }
0x65: {  	v0 =	vand.u32 $0xFFFF, v0;
	[tilespmem:$0x4030] =	vst v1  }
0x66: {  	[tilespmem:$0x40B0] =	vst v0  }
0x67: {  	s26 =	simm.s32 $0x400;
	v0 =	vld [tilespmem:s28+$0x140]  }
.LBB2_2:
0x68: {  	_ =	sdelay $0x3  }
0x69: {  	p0 =	sne.s32 s26, $0xF400;
	s28 =	smov.u32 s26;
	s26 =	sadd.s32 $0x400, s26;
	v1 =	vshrl.u32 v0, $0x10;
	v0 =	vand.u32 $0xFFFF, v0  }
0x6a: {  	[tilespmem:$0x4040] =	vst v1  }
0x6b: {  	[tilespmem:$0x40C0] =	vst v0  }
0x6c: {  	[tilespmem:s18], [sflag:$0x1] =	stream.indirect.gather [hbm4b:s0+s16], $0x80, s17, s16, $0xb8;
	[tilespmem:$0x1D200] =	vst v63  }
0x6d: {  	_ =	swait.ge [sflag:s23], $0x2800  }
0x6e: {  	[sflag:s23] =	ssyncset.done $0x0  }
0x6f: {  	[sflag:s23] =	ssyncadd.s32 $0xFFFFD800  }
0x70: {  	[spmem:s3] =	stream.indirect.scatter.add.f32 [tilespmem:s20], [sflag:$0x3], $0x80, s24, s16, $0xb8;
	[tilespmem:$0x1D200] =	vst v63  }
0x71: {  	_ =	swait.ge [sflag:s11], $0x2800  }
0x72: {  	[sflag:s11] =	ssyncset.done $0x0  }
0x73: {  	s28 =	sshra.s32 s28, $0x2;
	[sflag:s11] =	ssyncadd.s32 $0xFFFFD800  }
0x74: {  	v0 =	vld [tilespmem:s28+$0x80];
	_ =	sdelay $0x4  }
0x75: {  	v1 =	vshrl.u32 v0, $0x10;
	v0 =	vand.u32 $0xFFFF, v0  }
0x76: {  	[tilespmem:$0x4100] =	vst v1  }
0x77: {  	[tilespmem:$0x4180] =	vst v0  }
0x78: {  	v0 =	vld [tilespmem:s28+$0x90];
	_ =	sdelay $0x4  }
0x79: {  	v1 =	vshrl.u32 v0, $0x10;
	v0 =	vand.u32 $0xFFFF, v0  }
0x7a: {  	[tilespmem:$0x4110] =	vst v1  }
0x7b: {  	[tilespmem:$0x4190] =	vst v0  }
0x7c: {  	v0 =	vld [tilespmem:s28+$0xA0];
	_ =	sdelay $0x4  }
0x7d: {  	v1 =	vshrl.u32 v0, $0x10;
	v0 =	vand.u32 $0xFFFF, v0  }
0x7e: {  	[tilespmem:$0x4120] =	vst v1  }
0x7f: {  	[tilespmem:$0x41A0] =	vst v0  }
0x80: {  	v0 =	vld [tilespmem:s28+$0xB0];
	_ =	sdelay $0x4  }
0x81: {  	v1 =	vshrl.u32 v0, $0x10;
	v0 =	vand.u32 $0xFFFF, v0  }
0x82: {  	[tilespmem:$0x4130] =	vst v1  }
0x83: {  	[tilespmem:$0x41B0] =	vst v0  }
0x84: {  	v0 =	vld [tilespmem:s28+$0xC0];
	_ =	sdelay $0x4  }
0x85: {  	v1 =	vshrl.u32 v0, $0x10;
	v0 =	vand.u32 $0xFFFF, v0  }
0x86: {  	[tilespmem:$0x4140] =	vst v1  }
0x87: {  	[tilespmem:$0x41C0] =	vst v0  }
0x88: {  	[tilespmem:s20], [sflag:$0x2] =	stream.indirect.gather [hbm4b:s0+s16], $0x80, s19, s16, $0xb8;
	[tilespmem:$0x1D200] =	vst v63  }
0x89: {  	_ =	swait.ge [sflag:s21], $0x2800  }
0x8a: {  	[sflag:s21] =	ssyncset.done $0x0  }
0x8b: {  	[sflag:s21] =	ssyncadd.s32 $0xFFFFD800  }
0x8c: {  	[spmem:s3] =	stream.indirect.scatter.add.f32 [tilespmem:s18], [sflag:$0x3], $0x80, s22, s16, $0xb8;
	[tilespmem:$0x1D200] =	vst v63  }
0x8d: {  	_ =	swait.ge [sflag:s11], $0x2800  }
0x8e: {  	[sflag:s11] =	ssyncset.done $0x0  }
0x8f: {  	[sflag:s11] =	ssyncadd.s32 $0xFFFFD800  }
0x90: {  	v0 =	vld [tilespmem:s28+$0x100];
	_ =	sdelay $0x4  }
0x91: {  	v1 =	vshrl.u32 v0, $0x10;
	v0 =	vand.u32 $0xFFFF, v0  }
0x92: {  	[tilespmem:$0x4000] =	vst v1  }
0x93: {  	[tilespmem:$0x4080] =	vst v0  }
0x94: {  	v0 =	vld [tilespmem:s28+$0x110];
	_ =	sdelay $0x4  }
0x95: {  	v1 =	vshrl.u32 v0, $0x10;
	v0 =	vand.u32 $0xFFFF, v0  }
0x96: {  	[tilespmem:$0x4010] =	vst v1  }
0x97: {  	[tilespmem:$0x4090] =	vst v0  }
0x98: {  	v0 =	vld [tilespmem:s28+$0x120];
	_ =	sdelay $0x4  }
0x99: {  	v1 =	vshrl.u32 v0, $0x10;
	v0 =	vand.u32 $0xFFFF, v0  }
0x9a: {  	[tilespmem:$0x4020] =	vst v1  }
0x9b: {  	[tilespmem:$0x40A0] =	vst v0  }
0x9c: {  	v0 =	vld [tilespmem:s28+$0x130];
	_ =	sdelay $0x3  }
.Ltmp0:
0x9d: {  	(pc) =	sbr.rel @p0 .LBB2_2-.Ltmp0, $4  }
0x9e: {  	v1 =	vshrl.u32 v0, $0x10;
	v0 =	vand.u32 $0xFFFF, v0  }
0x9f: {  	[tilespmem:$0x4030] =	vst v1  }
0xa0: {  	[tilespmem:$0x40B0] =	vst v0  }
0xa1: {  	v0 =	vld [tilespmem:s28+$0x140]  }
0xa2: {  	_ =	sdelay $0x3  }
0xa3: {  	v1 =	vshrl.u32 v0, $0x10  }
0xa4: {  	v63 =	vand.u32 $0xFFFF, v0;
	[tilespmem:$0x4040] =	vst v1  }
0xa5: {  	[tilespmem:$0x40C0] =	vst v63  }
0xa6: {  	[tilespmem:s18], [sflag:$0x1] =	stream.indirect.gather [hbm4b:s0+s16], $0x80, s17, s16, $0xb8;
	[tilespmem:$0x1D200] =	vst v63  }
0xa7: {  	_ =	swait.ge [sflag:s23], $0x2800  }
0xa8: {  	[sflag:s23] =	ssyncset.done $0x0  }
0xa9: {  	[sflag:s23] =	ssyncadd.s32 $0xFFFFD800  }
0xaa: {  	[spmem:s3] =	stream.indirect.scatter.add.f32 [tilespmem:s20], [sflag:$0x3], $0x80, s24, s16, $0xb8;
	[tilespmem:$0x1D200] =	vst v63  }
0xab: {  	_ =	swait.ge [sflag:s11], $0x2800  }
0xac: {  	[sflag:s11] =	ssyncset.done $0x0  }
0xad: {  	[sflag:s11] =	ssyncadd.s32 $0xFFFFD800  }
0xae: {  	_ =	swait.ge [sflag:s21], $0x2800  }
0xaf: {  	[sflag:s21] =	ssyncset.done $0x0  }
0xb0: {  	[sflag:s21] =	ssyncadd.s32 $0xFFFFD800  }
0xb1: {  	[spmem:s3] =	stream.indirect.scatter.add.f32 [tilespmem:s18], [sflag:$0x3], $0x80, s22, s16, $0xb8;
	[tilespmem:$0x1D200] =	vst v63  }
0xb2: {  	_ =	swait.ge [sflag:s11], $0x2800  }
0xb3: {  	s25 =	sadd.s32 $0x1, s25;
	[sflag:s11] =	ssyncset.done $0x0  }
0xb4: {  	p0 =	sne.s32 s25, s9;
	[sflag:s11] =	ssyncadd.s32 $0xFFFFD800  }
.Ltmp1:
0xb5: {  	[bflag:$0x0] =	sbarrier.arrive $0xFFFF;
	(pc) =	sbr.rel @p0 .LBB2_1-.Ltmp1, $4  }
0xb6: {  	[hbm:s8], [sflag:s6] =	dma.local [spmem:s10], $0x2800  }
0xb7: {  	_ =	swait.ge [sflag:s11], $0x2800  }
0xb8: {  	[sflag:s11] =	ssyncset.done $0x0  }
0xb9: {  	[sflag:s11] =	ssyncadd.s32 $0xFFFFD800  }
0xba: {  	_ =	sfence.sel $0x180000  }
0xbb: {  	[bflag:$0x0] =	sbarrier.arrive $0xFFFF  }
0xbc: {  	p0 =	sne.s32 s2, $0x0;
	_ =	strace $0x9000004A  }
0xbd: {  	s0 =	sadd.s32 @!p0 $0x100000, s1;
	[bflag:$0x2] =	sbarrier.arrive $0xFFFF  }
0xbe: {  	[sflag:s0] =	ssyncadd.tile.s32 @!p0 $0x1;
	_ =	shalt  }
.Lfunc_end2:
_tile_overlayer_lowered:
.L_overlay_start_2:
0xbf: {  	(tag) =	ssettag $0x2  }
0xc0: {  	s0 =	rddreg [dreg:$0x0];
	s2 =	stileid.u32  }
0xc1: {  	s1 =	rddreg [dreg:$0x1];
	p0 =	sne.s32 s2, $0x0  }
0xc2: {  	s3 =	rddreg [dreg:$0x2];
	[bflag:$0x3] =	sbarrier.arrive $0xFFFF;
	s2 =	simm.s32 @!p0 $0x1C03  }
0xc3: {  	[timem:s3], [sflag:s2] =	dma.local @!p0 [hbm:s0], s1  }
0xc4: {  	s0 =	simm.s32 @!p0 $0x3  }
0xc5: {  	_ =	swait.ge @!p0 [sflag:s0], s1  }
0xc6: {  	s1 =	ssub.s32 @!p0 $0x0, s1;
	[sflag:s0] =	ssyncset.done @!p0 $0x0  }
0xc7: {  	[sflag:s0] =	ssyncadd.s32 @!p0 s1  }
0xc8: {  	[bflag:$0x3] =	sbarrier.arrive $0xFFFF  }
0xc9: {  	_ =	shalt  }

</sc_bundles>
